<compile_context>
chip_gen: v7x
topology: tpu7x:2x2x1
jax: 0.10.2.dev20260603
libtpu: 0.0.44.dev20260713+nightly
codegen_flags: <defaults>
</compile_context>

<pallas_src>
import functools

import jax
import jax.numpy as jnp
from jax import lax
from jax.experimental import pallas as pl
from jax.experimental.pallas import tpu as pltpu
from jax.experimental.pallas import tpu_sc as plsc

N = 10000
E = 160000
D = 248
DP = 256
H = DP // 2
NNZ_PAD = 3840

NC, NS = 2, 16
CHUNK_E = 128
NCH = 80
EP = NS * NCH * CHUNK_E
NP = 10112
STRIPE = NP // NS


def _segment_sum_sc(feat2, src2, tgt3):
    mesh = plsc.VectorSubcoreMesh(core_axis_name="c", subcore_axis_name="s")

    @functools.partial(
        pl.kernel,
        out_type=jax.ShapeDtypeStruct((NC * NP, H), jnp.float32),
        mesh=mesh,
        scratch_types=[
            pltpu.VMEM_SHARED((NP, H), jnp.float32),
            pltpu.VMEM((NCH // 2, CHUNK_E), jnp.int32),
            pltpu.VMEM((NCH // 2, CHUNK_E), jnp.int32),
            pltpu.VMEM((CHUNK_E, H), jnp.float32),
            pltpu.VMEM((CHUNK_E, H), jnp.float32),
            pltpu.SemaphoreType.DMA,
            pltpu.SemaphoreType.DMA,
        ],
    )
    def seg(feat2_hbm, src2_hbm, tgt3_hbm, out_hbm, acc_sh, src_v, tgt_v,
            rows_v, rows_b, sem, sem_b):
        c = lax.axis_index("c")
        s = lax.axis_index("s")
        w = c * NS + s

        def zrow(r, carry):
            for q in range(H // 16):
                rows_v[r, pl.ds(q * 16, 16)] = jnp.zeros((16,), jnp.float32)
            return carry
        lax.fori_loop(0, CHUNK_E, zrow, 0)
        for t in range(STRIPE // CHUNK_E):
            pltpu.sync_copy(
                rows_v, acc_sh.at[pl.ds(s * STRIPE + t * CHUNK_E, CHUNK_E)])
        rem = STRIPE % CHUNK_E
        pltpu.sync_copy(
            rows_v.at[pl.ds(0, rem)],
            acc_sh.at[pl.ds(s * STRIPE + STRIPE - rem, rem)])

        plsc.subcore_barrier()

        def gather(j, buf, gsem):
            pltpu.async_copy(
                feat2_hbm.at[plsc.Indices(src_v.at[j], ignored_value=-1)],
                buf, gsem)

        def gwait(j, buf, gsem):
            pltpu.make_async_copy(
                feat2_hbm.at[plsc.Indices(src_v.at[j], ignored_value=-1)],
                buf, gsem).wait()

        def scat(j, buf):
            pltpu.sync_copy(
                buf, acc_sh.at[plsc.Indices(tgt_v.at[j], ignored_value=-1)],
                add=True)

        nhalf = NCH // 2
        npair = nhalf // 2
        for p in range(2):
            pltpu.sync_copy(src2_hbm.at[w, pl.ds(p * nhalf, nhalf)], src_v)
            pltpu.sync_copy(tgt3_hbm.at[s, pl.ds(p * nhalf, nhalf)], tgt_v)
            gather(0, rows_v, sem)

            def pair(g, carry):
                j0 = 2 * g
                gather(j0 + 1, rows_b, sem_b)
                gwait(j0, rows_v, sem)
                scat(j0, rows_v)

                @pl.when(g + 1 < npair)
                def _():
                    gather(j0 + 2, rows_v, sem)

                gwait(j0 + 1, rows_b, sem_b)
                scat(j0 + 1, rows_b)
                return carry
            lax.fori_loop(0, npair, pair, 0)

        plsc.subcore_barrier()

        base = c * NP + s * STRIPE
        for t in range(STRIPE // CHUNK_E):
            pltpu.sync_copy(
                acc_sh.at[pl.ds(s * STRIPE + t * CHUNK_E, CHUNK_E)], rows_v)
            pltpu.sync_copy(
                rows_v, out_hbm.at[pl.ds(base + t * CHUNK_E, CHUNK_E)])
        pltpu.sync_copy(
            acc_sh.at[pl.ds(s * STRIPE + STRIPE - rem, rem)],
            rows_v.at[pl.ds(0, rem)])
        pltpu.sync_copy(
            rows_v.at[pl.ds(0, rem)],
            out_hbm.at[pl.ds(base + STRIPE - rem, rem)])

    return seg(feat2, src2, tgt3)


def _bracket_update_tc(x, seg3, gi, gj, hk):
    BR = 2000

    KC = NNZ_PAD // 5

    def body(x_ref, sl_ref, sr_ref, gi_ref, gj_ref, hk_ref, o_ref):
        s = jnp.concatenate(
            [sl_ref[0], sr_ref[0]], axis=1).astype(jnp.bfloat16)
        xb = x_ref[...].astype(jnp.bfloat16)
        acc = x_ref[...]
        for kc in range(NNZ_PAD // KC):
            sl_k = pl.ds(kc * KC, KC)
            a = jnp.dot(s, gi_ref[:, sl_k],
                        preferred_element_type=jnp.float32)
            b = jnp.dot(xb, gj_ref[:, sl_k],
                        preferred_element_type=jnp.float32)
            t = (a * b).astype(jnp.bfloat16)
            acc += jnp.dot(t, hk_ref[sl_k, :],
                           preferred_element_type=jnp.float32)
        o_ref[...] = acc

    return pl.pallas_call(
        body,
        grid=(N // BR,),
        in_specs=[
            pl.BlockSpec((BR, D), lambda i: (i, 0)),
            pl.BlockSpec((1, BR, H), lambda i: (0, i, 0)),
            pl.BlockSpec((1, BR, H), lambda i: (1, i, 0)),
            pl.BlockSpec((DP, NNZ_PAD), lambda i: (0, 0)),
            pl.BlockSpec((D, NNZ_PAD), lambda i: (0, 0)),
            pl.BlockSpec((NNZ_PAD, D), lambda i: (0, 0)),
        ],
        out_specs=pl.BlockSpec((BR, D), lambda i: (i, 0)),
        out_shape=jax.ShapeDtypeStruct((N, D), jnp.float32),
    )(x, seg3, seg3, gi, gj, hk)


def kernel(features, edge_index, f_idx, f_val, alpha_proj, alpha_bil,
           alpha_W, update_scale):
    del alpha_W, update_scale

    feat2 = jnp.concatenate(
        [features[:, :H],
         jnp.pad(features[:, H:], ((0, 0), (0, DP - D)))], axis=0)

    src = edge_index[0]
    tgt = edge_index[1]
    src2 = jnp.concatenate(
        [jnp.pad(src, (0, EP - E), constant_values=-1),
         jnp.pad(src + N, (0, EP - E), constant_values=-1)]
    ).reshape(NC * NS, NCH, CHUNK_E)
    tgt3 = jnp.pad(tgt, (0, EP - E),
                   constant_values=-1).reshape(NS, NCH, CHUNK_E)

    seg = _segment_sum_sc(feat2, src2, tgt3)
    seg3 = seg.reshape(NC, NP, H)

    nnz = f_idx.shape[0]
    fi = jnp.pad(f_idx[:, 0], (0, NNZ_PAD - nnz))
    fj = jnp.pad(f_idx[:, 1], (0, NNZ_PAD - nnz))
    fk = jnp.pad(f_idx[:, 2], (0, NNZ_PAD - nnz))
    fv = jnp.pad(f_val, (0, NNZ_PAD - nnz))
    ar = jnp.arange(DP, dtype=f_idx.dtype)
    gi = (fi[None, :] == ar[:, None]).astype(jnp.bfloat16)
    gj = (fj[None, :] == ar[:D, None]).astype(jnp.bfloat16)
    fvs = alpha_bil * alpha_proj * fv
    hk = (jnp.where(fk[:, None] == ar[None, :D], fvs[:, None], 0.0)
          ).astype(jnp.bfloat16)

    return _bracket_update_tc(features, seg3, gi, gj, hk)

# --- scband reference (transcript-rebuilt; emitter-appended) ---
"""Pipeline reference for scband-equivariant-lie-conv-layer-85048942395862 (READ-ONLY COPY).

The authoritative reference and input builder live on the scoring server;
editing this copy changes nothing except your own understanding.
"""

import jax
import jax.numpy as jnp
import numpy as np

ALGEBRA_DIM = 248
CHUNK = 1000

# Synthetic sparse antisymmetric structure constants f_{ijk} for the E8-dim
# algebra (248). SparseLieBracket computes [x, y]_k = sum_{ij} f_{ijk} x_i y_j
# over a sparse COO list of nonzero triples; we build a deterministic sparse
# antisymmetric tensor with the same computational structure.
_rng = np.random.RandomState(0)
_n_half = 1860
_i = _rng.randint(0, ALGEBRA_DIM, _n_half)
_j = (_i + 1 + _rng.randint(0, ALGEBRA_DIM - 1, _n_half)) % ALGEBRA_DIM
_k = _rng.randint(0, ALGEBRA_DIM, _n_half)
_v = (_rng.randn(_n_half) / np.sqrt(ALGEBRA_DIM)).astype(np.float32)
F_I = np.concatenate([_i, _j]).astype(np.int32)
F_J = np.concatenate([_j, _i]).astype(np.int32)
F_K = np.concatenate([_k, _k]).astype(np.int32)
F_V = np.concatenate([_v, -_v]).astype(np.float32)


def lie_bracket(x, y, f_i, f_j, f_k, f_val):
    # Sparse bilinear bracket: out[b, k] += f_val * x[b, i] * y[b, j]
    # Chunked over the batch dim to bound the (chunk, nnz) intermediate.
    B, D = x.shape
    xr = x.reshape(-1, CHUNK, D)
    yr = y.reshape(-1, CHUNK, D)

    def body(args):
        xc, yc = args
        terms = f_val[None, :] * xc[:, f_i] * yc[:, f_j]
        return jnp.zeros((CHUNK, D), x.dtype).at[:, f_k].add(terms)

    out = jax.lax.map(body, (xr, yr))
    return out.reshape(B, D)


def setup_inputs(seed: int = 0):
    key = jax.random.key(seed)
    k1, k2 = jax.random.split(key)
    N, E, D = 10000, 160000, ALGEBRA_DIM
    features = jax.random.normal(k1, (N, D), dtype=jnp.float32)
    edge_index = jax.random.randint(k2, (2, E), 0, N, dtype=jnp.int32)
    return {
        "features": features,
        "edge_index": edge_index,
        "f_idx": jnp.asarray(np.stack([F_I, F_J, F_K], axis=1)),
        "f_val": jnp.asarray(F_V),
        "alpha_proj": jnp.asarray(1.0, dtype=jnp.float32),
        "alpha_bil": jnp.asarray(1.0, dtype=jnp.float32),
        "alpha_W": jnp.asarray(1.0, dtype=jnp.float32),
        "update_scale": jnp.asarray(0.1, dtype=jnp.float32),
    }


def reference(features, edge_index, f_idx, f_val, alpha_proj, alpha_bil, alpha_W, update_scale):
    f_i = f_idx[:, 0]
    f_j = f_idx[:, 1]
    f_k = f_idx[:, 2]
    src_idx = edge_index[0]
    tgt_idx = edge_index[1]
    # gather
    src_feats = features[src_idx]
    tgt_feats = features[tgt_idx]
    # AdjointLinearLayer: scalar * identity (Schur's lemma)
    src_projected = alpha_proj * src_feats
    # AdjointBilinearLayer: alpha * [x, y]
    messages = alpha_bil * lie_bracket(src_projected, tgt_feats, f_i, f_j, f_k, f_val)
    # scatter-add aggregation to target nodes
    agg = jnp.zeros_like(features).at[tgt_idx].add(messages)
    # update: x + agg + scale * [agg, W(agg)]
    Wx = alpha_W * agg
    bracket_update = lie_bracket(agg, Wx, f_i, f_j, f_k, f_val)
    updated = features + agg + update_scale * bracket_update
    return updated

if __name__ == "__main__":
    import jax
    _d = setup_inputs()
    print(jax.jit(kernel)(*tuple(_d.values())))

</pallas_src>

<mosaic_0001>
#map = affine_map<(d0, d1) -> (0, 0)>
#map1 = affine_map<(d0, d1) -> (0, 0, 0)>
module attributes {stable_mosaic.version = 14 : i64} {
  func.func @seg(%arg0: i32, %arg1: i32, %arg2: memref<20000x128xf32, #tpu.memory_space<hbm>>, %arg3: memref<32x80x128xi32, #tpu.memory_space<hbm>>, %arg4: memref<16x80x128xi32, #tpu.memory_space<hbm>>, %arg5: memref<20224x128xf32, #tpu.memory_space<hbm>>, %arg6: memref<10112x128xf32, #tpu.memory_space<vmem_shared>>, %arg7: memref<40x128xi32, #tpu.memory_space<vmem>>, %arg8: memref<40x128xi32, #tpu.memory_space<vmem>>, %arg9: memref<128x128xf32, #tpu.memory_space<vmem>>, %arg10: memref<128x128xf32, #tpu.memory_space<vmem>>, %arg11: memref<!tpu.dma_semaphore, #tpu.memory_space<semaphore_mem>>, %arg12: memref<!tpu.dma_semaphore, #tpu.memory_space<semaphore_mem>>) attributes {dimension_semantics = [#tpu.dimension_semantics<core_parallel>, #tpu.dimension_semantics<subcore_parallel>], iteration_bounds = array<i64: 2, 16>, scalar_prefetch = 0 : i64, scratch_operands = 7 : i64, tpu.core_type = #tpu.core_type<sc_vector_subcore>, window_params = [{transform_indices = #map}, {transform_indices = #map1}, {transform_indices = #map1}, {transform_indices = #map}]} {
    %mul3A = arith.constant 16 : i32
    %mul3A_0 = arith.muli %arg0, %mul3A : i32
    %add3A = arith.addi %mul3A_0, %arg1 : i32
    %scan3A = arith.constant 0 : i32
    %scan3A_1 = arith.constant 0 : i32
    %scan3A_2 = arith.constant 128 : i32
    %scan3A_3 = arith.addi %scan3A_1, %scan3A_2 : i32
    %scan3A_4 = arith.constant 1 : i32
    scf.for %scan3A_94 = %scan3A_1 to %scan3A_3 step %scan3A_4  : i32 {
      %broadcast_in_dim3A = arith.constant 0.000000e+00 : f32
      %broadcast_in_dim3A_95 = vector.broadcast %broadcast_in_dim3A : f32 to vector<16xf32>
      %swap3A = arith.index_cast %scan3A_94 : i32 to index
      %swap3A_96 = arith.constant 0 : index
      %swap3A_97 = tpu.vector_load %arg9[%swap3A, %swap3A_96] {strides = array<i32>} : memref<128x128xf32, #tpu.memory_space<vmem>>, vector<1x16xf32>,
      %swap3A_98 = vector.shape_cast %swap3A_97 : vector<1x16xf32> to vector<16xf32>
      %swap3A_99 = vector.shape_cast %broadcast_in_dim3A_95 : vector<16xf32> to vector<1x16xf32>
      tpu.vector_store %arg9[%swap3A, %swap3A_96], %swap3A_99 {strides = array<i32>} : memref<128x128xf32, #tpu.memory_space<vmem>>, vector<1x16xf32>,
      %broadcast_in_dim3A_100 = arith.constant 0.000000e+00 : f32
      %broadcast_in_dim3A_101 = vector.broadcast %broadcast_in_dim3A_100 : f32 to vector<16xf32>
      %swap3A_102 = arith.index_cast %scan3A_94 : i32 to index
      %swap3A_103 = arith.constant 16 : index
      %swap3A_104 = tpu.vector_load %arg9[%swap3A_102, %swap3A_103] {strides = array<i32>} : memref<128x128xf32, #tpu.memory_space<vmem>>, vector<1x16xf32>,
      %swap3A_105 = vector.shape_cast %swap3A_104 : vector<1x16xf32> to vector<16xf32>
      %swap3A_106 = vector.shape_cast %broadcast_in_dim3A_101 : vector<16xf32> to vector<1x16xf32>
      tpu.vector_store %arg9[%swap3A_102, %swap3A_103], %swap3A_106 {strides = array<i32>} : memref<128x128xf32, #tpu.memory_space<vmem>>, vector<1x16xf32>,
      %broadcast_in_dim3A_107 = arith.constant 0.000000e+00 : f32
      %broadcast_in_dim3A_108 = vector.broadcast %broadcast_in_dim3A_107 : f32 to vector<16xf32>
      %swap3A_109 = arith.index_cast %scan3A_94 : i32 to index
      %swap3A_110 = arith.constant 32 : index
      %swap3A_111 = tpu.vector_load %arg9[%swap3A_109, %swap3A_110] {strides = array<i32>} : memref<128x128xf32, #tpu.memory_space<vmem>>, vector<1x16xf32>,
      %swap3A_112 = vector.shape_cast %swap3A_111 : vector<1x16xf32> to vector<16xf32>
      %swap3A_113 = vector.shape_cast %broadcast_in_dim3A_108 : vector<16xf32> to vector<1x16xf32>
      tpu.vector_store %arg9[%swap3A_109, %swap3A_110], %swap3A_113 {strides = array<i32>} : memref<128x128xf32, #tpu.memory_space<vmem>>, vector<1x16xf32>,
      %broadcast_in_dim3A_114 = arith.constant 0.000000e+00 : f32
      %broadcast_in_dim3A_115 = vector.broadcast %broadcast_in_dim3A_114 : f32 to vector<16xf32>
      %swap3A_116 = arith.index_cast %scan3A_94 : i32 to index
      %swap3A_117 = arith.constant 48 : index
      %swap3A_118 = tpu.vector_load %arg9[%swap3A_116, %swap3A_117] {strides = array<i32>} : memref<128x128xf32, #tpu.memory_space<vmem>>, vector<1x16xf32>,
      %swap3A_119 = vector.shape_cast %swap3A_118 : vector<1x16xf32> to vector<16xf32>
      %swap3A_120 = vector.shape_cast %broadcast_in_dim3A_115 : vector<16xf32> to vector<1x16xf32>
      tpu.vector_store %arg9[%swap3A_116, %swap3A_117], %swap3A_120 {strides = array<i32>} : memref<128x128xf32, #tpu.memory_space<vmem>>, vector<1x16xf32>,
      %broadcast_in_dim3A_121 = arith.constant 0.000000e+00 : f32
      %broadcast_in_dim3A_122 = vector.broadcast %broadcast_in_dim3A_121 : f32 to vector<16xf32>
      %swap3A_123 = arith.index_cast %scan3A_94 : i32 to index
      %swap3A_124 = arith.constant 64 : index
      %swap3A_125 = tpu.vector_load %arg9[%swap3A_123, %swap3A_124] {strides = array<i32>} : memref<128x128xf32, #tpu.memory_space<vmem>>, vector<1x16xf32>,
      %swap3A_126 = vector.shape_cast %swap3A_125 : vector<1x16xf32> to vector<16xf32>
      %swap3A_127 = vector.shape_cast %broadcast_in_dim3A_122 : vector<16xf32> to vector<1x16xf32>
      tpu.vector_store %arg9[%swap3A_123, %swap3A_124], %swap3A_127 {strides = array<i32>} : memref<128x128xf32, #tpu.memory_space<vmem>>, vector<1x16xf32>,
      %broadcast_in_dim3A_128 = arith.constant 0.000000e+00 : f32
      %broadcast_in_dim3A_129 = vector.broadcast %broadcast_in_dim3A_128 : f32 to vector<16xf32>
      %swap3A_130 = arith.index_cast %scan3A_94 : i32 to index
      %swap3A_131 = arith.constant 80 : index
      %swap3A_132 = tpu.vector_load %arg9[%swap3A_130, %swap3A_131] {strides = array<i32>} : memref<128x128xf32, #tpu.memory_space<vmem>>, vector<1x16xf32>,
      %swap3A_133 = vector.shape_cast %swap3A_132 : vector<1x16xf32> to vector<16xf32>
      %swap3A_134 = vector.shape_cast %broadcast_in_dim3A_129 : vector<16xf32> to vector<1x16xf32>
      tpu.vector_store %arg9[%swap3A_130, %swap3A_131], %swap3A_134 {strides = array<i32>} : memref<128x128xf32, #tpu.memory_space<vmem>>, vector<1x16xf32>,
      %broadcast_in_dim3A_135 = arith.constant 0.000000e+00 : f32
      %broadcast_in_dim3A_136 = vector.broadcast %broadcast_in_dim3A_135 : f32 to vector<16xf32>
      %swap3A_137 = arith.index_cast %scan3A_94 : i32 to index
      %swap3A_138 = arith.constant 96 : index
      %swap3A_139 = tpu.vector_load %arg9[%swap3A_137, %swap3A_138] {strides = array<i32>} : memref<128x128xf32, #tpu.memory_space<vmem>>, vector<1x16xf32>,
      %swap3A_140 = vector.shape_cast %swap3A_139 : vector<1x16xf32> to vector<16xf32>
      %swap3A_141 = vector.shape_cast %broadcast_in_dim3A_136 : vector<16xf32> to vector<1x16xf32>
      tpu.vector_store %arg9[%swap3A_137, %swap3A_138], %swap3A_141 {strides = array<i32>} : memref<128x128xf32, #tpu.memory_space<vmem>>, vector<1x16xf32>,
      %broadcast_in_dim3A_142 = arith.constant 0.000000e+00 : f32
      %broadcast_in_dim3A_143 = vector.broadcast %broadcast_in_dim3A_142 : f32 to vector<16xf32>
      %swap3A_144 = arith.index_cast %scan3A_94 : i32 to index
      %swap3A_145 = arith.constant 112 : index
      %swap3A_146 = tpu.vector_load %arg9[%swap3A_144, %swap3A_145] {strides = array<i32>} : memref<128x128xf32, #tpu.memory_space<vmem>>, vector<1x16xf32>,
      %swap3A_147 = vector.shape_cast %swap3A_146 : vector<1x16xf32> to vector<16xf32>
      %swap3A_148 = vector.shape_cast %broadcast_in_dim3A_143 : vector<16xf32> to vector<1x16xf32>
      tpu.vector_store %arg9[%swap3A_144, %swap3A_145], %swap3A_148 {strides = array<i32>} : memref<128x128xf32, #tpu.memory_space<vmem>>, vector<1x16xf32>,
    }
    %scan3A_5 = arith.constant 128 : i32
    %mul3A_6 = arith.constant 632 : i32
    %mul3A_7 = arith.muli %arg1, %mul3A_6 : i32
    %add3A_8 = arith.constant 0 : i32
    %add3A_9 = arith.addi %mul3A_7, %add3A_8 : i32
    "tpu.region"() ({
      %run_scoped3A = tpu.sem_alloc : memref<!tpu.dma_semaphore, #tpu.memory_space<semaphore_mem>>
      %dma_start3A_94 = arith.constant 0 : i32
      %dma_start3A_95 = tpu.memref_slice %arg6[%add3A_9, %dma_start3A_94] : memref<10112x128xf32, #tpu.memory_space<vmem_shared>> -> memref<128x128xf32, #tpu.memory_space<vmem_shared>>
      %dma_start3A_96 = arith.constant 0 : i32
      %dma_start3A_97 = tpu.memref_slice %arg6[%add3A_9, %dma_start3A_96] : memref<10112x128xf32, #tpu.memory_space<vmem_shared>> -> memref<128x128xf32, #tpu.memory_space<vmem_shared>>
      tpu.enqueue_dma source(%arg9 : memref<128x128xf32, #tpu.memory_space<vmem>>) target(%dma_start3A_97 : memref<128x128xf32, #tpu.memory_space<vmem_shared>>) target_semaphore(%run_scoped3A : memref<!tpu.dma_semaphore, #tpu.memory_space<semaphore_mem>>)
      %dma_wait3A = arith.constant 0 : i32
      %dma_wait3A_98 = tpu.memref_slice %arg6[%add3A_9, %dma_wait3A] : memref<10112x128xf32, #tpu.memory_space<vmem_shared>> -> memref<128x128xf32, #tpu.memory_space<vmem_shared>>
      %dma_wait3A_99 = arith.constant 0 : i32
      %dma_wait3A_100 = tpu.memref_slice %arg6[%add3A_9, %dma_wait3A_99] : memref<10112x128xf32, #tpu.memory_space<vmem_shared>> -> memref<128x128xf32, #tpu.memory_space<vmem_shared>>
      tpu.wait_dma2 semaphore(%run_scoped3A : memref<!tpu.dma_semaphore, #tpu.memory_space<semaphore_mem>>) src(%arg9 : memref<128x128xf32, #tpu.memory_space<vmem>>) dst(%dma_wait3A_100 : memref<128x128xf32, #tpu.memory_space<vmem_shared>>)
      tpu.yield
    }) : () -> ()
    %mul3A_10 = arith.constant 632 : i32
    %mul3A_11 = arith.muli %arg1, %mul3A_10 : i32
    %add3A_12 = arith.constant 128 : i32
    %add3A_13 = arith.addi %mul3A_11, %add3A_12 : i32
    "tpu.region"() ({
      %run_scoped3A = tpu.sem_alloc : memref<!tpu.dma_semaphore, #tpu.memory_space<semaphore_mem>>
      %dma_start3A_94 = arith.constant 0 : i32
      %dma_start3A_95 = tpu.memref_slice %arg6[%add3A_13, %dma_start3A_94] : memref<10112x128xf32, #tpu.memory_space<vmem_shared>> -> memref<128x128xf32, #tpu.memory_space<vmem_shared>>
      %dma_start3A_96 = arith.constant 0 : i32
      %dma_start3A_97 = tpu.memref_slice %arg6[%add3A_13, %dma_start3A_96] : memref<10112x128xf32, #tpu.memory_space<vmem_shared>> -> memref<128x128xf32, #tpu.memory_space<vmem_shared>>
      tpu.enqueue_dma source(%arg9 : memref<128x128xf32, #tpu.memory_space<vmem>>) target(%dma_start3A_97 : memref<128x128xf32, #tpu.memory_space<vmem_shared>>) target_semaphore(%run_scoped3A : memref<!tpu.dma_semaphore, #tpu.memory_space<semaphore_mem>>)
      %dma_wait3A = arith.constant 0 : i32
      %dma_wait3A_98 = tpu.memref_slice %arg6[%add3A_13, %dma_wait3A] : memref<10112x128xf32, #tpu.memory_space<vmem_shared>> -> memref<128x128xf32, #tpu.memory_space<vmem_shared>>
      %dma_wait3A_99 = arith.constant 0 : i32
      %dma_wait3A_100 = tpu.memref_slice %arg6[%add3A_13, %dma_wait3A_99] : memref<10112x128xf32, #tpu.memory_space<vmem_shared>> -> memref<128x128xf32, #tpu.memory_space<vmem_shared>>
      tpu.wait_dma2 semaphore(%run_scoped3A : memref<!tpu.dma_semaphore, #tpu.memory_space<semaphore_mem>>) src(%arg9 : memref<128x128xf32, #tpu.memory_space<vmem>>) dst(%dma_wait3A_100 : memref<128x128xf32, #tpu.memory_space<vmem_shared>>)
      tpu.yield
    }) : () -> ()
    %mul3A_14 = arith.constant 632 : i32
    %mul3A_15 = arith.muli %arg1, %mul3A_14 : i32
    %add3A_16 = arith.constant 256 : i32
    %add3A_17 = arith.addi %mul3A_15, %add3A_16 : i32
    "tpu.region"() ({
      %run_scoped3A = tpu.sem_alloc : memref<!tpu.dma_semaphore, #tpu.memory_space<semaphore_mem>>
      %dma_start3A_94 = arith.constant 0 : i32
      %dma_start3A_95 = tpu.memref_slice %arg6[%add3A_17, %dma_start3A_94] : memref<10112x128xf32, #tpu.memory_space<vmem_shared>> -> memref<128x128xf32, #tpu.memory_space<vmem_shared>>
      %dma_start3A_96 = arith.constant 0 : i32
      %dma_start3A_97 = tpu.memref_slice %arg6[%add3A_17, %dma_start3A_96] : memref<10112x128xf32, #tpu.memory_space<vmem_shared>> -> memref<128x128xf32, #tpu.memory_space<vmem_shared>>
      tpu.enqueue_dma source(%arg9 : memref<128x128xf32, #tpu.memory_space<vmem>>) target(%dma_start3A_97 : memref<128x128xf32, #tpu.memory_space<vmem_shared>>) target_semaphore(%run_scoped3A : memref<!tpu.dma_semaphore, #tpu.memory_space<semaphore_mem>>)
      %dma_wait3A = arith.constant 0 : i32
      %dma_wait3A_98 = tpu.memref_slice %arg6[%add3A_17, %dma_wait3A] : memref<10112x128xf32, #tpu.memory_space<vmem_shared>> -> memref<128x128xf32, #tpu.memory_space<vmem_shared>>
      %dma_wait3A_99 = arith.constant 0 : i32
      %dma_wait3A_100 = tpu.memref_slice %arg6[%add3A_17, %dma_wait3A_99] : memref<10112x128xf32, #tpu.memory_space<vmem_shared>> -> memref<128x128xf32, #tpu.memory_space<vmem_shared>>
      tpu.wait_dma2 semaphore(%run_scoped3A : memref<!tpu.dma_semaphore, #tpu.memory_space<semaphore_mem>>) src(%arg9 : memref<128x128xf32, #tpu.memory_space<vmem>>) dst(%dma_wait3A_100 : memref<128x128xf32, #tpu.memory_space<vmem_shared>>)
      tpu.yield
    }) : () -> ()
    %mul3A_18 = arith.constant 632 : i32
    %mul3A_19 = arith.muli %arg1, %mul3A_18 : i32
    %add3A_20 = arith.constant 384 : i32
    %add3A_21 = arith.addi %mul3A_19, %add3A_20 : i32
    "tpu.region"() ({
      %run_scoped3A = tpu.sem_alloc : memref<!tpu.dma_semaphore, #tpu.memory_space<semaphore_mem>>
      %dma_start3A_94 = arith.constant 0 : i32
      %dma_start3A_95 = tpu.memref_slice %arg6[%add3A_21, %dma_start3A_94] : memref<10112x128xf32, #tpu.memory_space<vmem_shared>> -> memref<128x128xf32, #tpu.memory_space<vmem_shared>>
      %dma_start3A_96 = arith.constant 0 : i32
      %dma_start3A_97 = tpu.memref_slice %arg6[%add3A_21, %dma_start3A_96] : memref<10112x128xf32, #tpu.memory_space<vmem_shared>> -> memref<128x128xf32, #tpu.memory_space<vmem_shared>>
      tpu.enqueue_dma source(%arg9 : memref<128x128xf32, #tpu.memory_space<vmem>>) target(%dma_start3A_97 : memref<128x128xf32, #tpu.memory_space<vmem_shared>>) target_semaphore(%run_scoped3A : memref<!tpu.dma_semaphore, #tpu.memory_space<semaphore_mem>>)
      %dma_wait3A = arith.constant 0 : i32
      %dma_wait3A_98 = tpu.memref_slice %arg6[%add3A_21, %dma_wait3A] : memref<10112x128xf32, #tpu.memory_space<vmem_shared>> -> memref<128x128xf32, #tpu.memory_space<vmem_shared>>
      %dma_wait3A_99 = arith.constant 0 : i32
      %dma_wait3A_100 = tpu.memref_slice %arg6[%add3A_21, %dma_wait3A_99] : memref<10112x128xf32, #tpu.memory_space<vmem_shared>> -> memref<128x128xf32, #tpu.memory_space<vmem_shared>>
      tpu.wait_dma2 semaphore(%run_scoped3A : memref<!tpu.dma_semaphore, #tpu.memory_space<semaphore_mem>>) src(%arg9 : memref<128x128xf32, #tpu.memory_space<vmem>>) dst(%dma_wait3A_100 : memref<128x128xf32, #tpu.memory_space<vmem_shared>>)
      tpu.yield
    }) : () -> ()
    %mul3A_22 = arith.constant 632 : i32
    %mul3A_23 = arith.muli %arg1, %mul3A_22 : i32
    %add3A_24 = arith.constant 632 : i32
    %add3A_25 = arith.addi %mul3A_23, %add3A_24 : i32
    %sub3A = arith.constant 120 : i32
    %sub3A_26 = arith.subi %add3A_25, %sub3A : i32
    "tpu.region"() ({
      %run_scoped3A = tpu.sem_alloc : memref<!tpu.dma_semaphore, #tpu.memory_space<semaphore_mem>>
      %dma_start3A_94 = arith.constant 0 : i32
      %dma_start3A_95 = arith.constant 0 : i32
      %dma_start3A_96 = tpu.memref_slice %arg9[%dma_start3A_94, %dma_start3A_95] : memref<128x128xf32, #tpu.memory_space<vmem>> -> memref<120x128xf32, #tpu.memory_space<vmem>>
      %dma_start3A_97 = arith.constant 0 : i32
      %dma_start3A_98 = tpu.memref_slice %arg6[%sub3A_26, %dma_start3A_97] : memref<10112x128xf32, #tpu.memory_space<vmem_shared>> -> memref<120x128xf32, #tpu.memory_space<vmem_shared>>
      %dma_start3A_99 = arith.constant 0 : i32
      %dma_start3A_100 = tpu.memref_slice %arg6[%sub3A_26, %dma_start3A_99] : memref<10112x128xf32, #tpu.memory_space<vmem_shared>> -> memref<120x128xf32, #tpu.memory_space<vmem_shared>>
      %dma_start3A_101 = arith.constant 0 : i32
      %dma_start3A_102 = arith.constant 0 : i32
      %dma_start3A_103 = tpu.memref_slice %arg9[%dma_start3A_101, %dma_start3A_102] : memref<128x128xf32, #tpu.memory_space<vmem>> -> memref<120x128xf32, #tpu.memory_space<vmem>>
      tpu.enqueue_dma source(%dma_start3A_103 : memref<120x128xf32, #tpu.memory_space<vmem>>) target(%dma_start3A_100 : memref<120x128xf32, #tpu.memory_space<vmem_shared>>) target_semaphore(%run_scoped3A : memref<!tpu.dma_semaphore, #tpu.memory_space<semaphore_mem>>)
      %dma_wait3A = arith.constant 0 : i32
      %dma_wait3A_104 = arith.constant 0 : i32
      %dma_wait3A_105 = tpu.memref_slice %arg9[%dma_wait3A, %dma_wait3A_104] : memref<128x128xf32, #tpu.memory_space<vmem>> -> memref<120x128xf32, #tpu.memory_space<vmem>>
      %dma_wait3A_106 = arith.constant 0 : i32
      %dma_wait3A_107 = tpu.memref_slice %arg6[%sub3A_26, %dma_wait3A_106] : memref<10112x128xf32, #tpu.memory_space<vmem_shared>> -> memref<120x128xf32, #tpu.memory_space<vmem_shared>>
      %dma_wait3A_108 = arith.constant 0 : i32
      %dma_wait3A_109 = tpu.memref_slice %arg6[%sub3A_26, %dma_wait3A_108] : memref<10112x128xf32, #tpu.memory_space<vmem_shared>> -> memref<120x128xf32, #tpu.memory_space<vmem_shared>>
      %dma_wait3A_110 = arith.constant 0 : i32
      %dma_wait3A_111 = arith.constant 0 : i32
      %dma_wait3A_112 = tpu.memref_slice %arg9[%dma_wait3A_110, %dma_wait3A_111] : memref<128x128xf32, #tpu.memory_space<vmem>> -> memref<120x128xf32, #tpu.memory_space<vmem>>
      tpu.wait_dma2 semaphore(%run_scoped3A : memref<!tpu.dma_semaphore, #tpu.memory_space<semaphore_mem>>) src(%dma_wait3A_112 : memref<120x128xf32, #tpu.memory_space<vmem>>) dst(%dma_wait3A_109 : memref<120x128xf32, #tpu.memory_space<vmem_shared>>)
      tpu.yield
    }) : () -> ()
    %barrier3A = arith.constant 0 : index
    tpu.barrier barrier_id(%barrier3A)
    "tpu.region"() ({
      %run_scoped3A = tpu.sem_alloc : memref<!tpu.dma_semaphore, #tpu.memory_space<semaphore_mem>>
      %dma_start3A_94 = arith.constant 0 : i32
      %dma_start3A_95 = arith.constant 0 : i32
      %dma_start3A_96 = tpu.memref_slice %arg3[%add3A, %dma_start3A_94, %dma_start3A_95] : memref<32x80x128xi32, #tpu.memory_space<hbm>> -> memref<1x40x128xi32, #tpu.memory_space<hbm>>
      %dma_start3A_97 = tpu.memref_squeeze %dma_start3A_96 : memref<1x40x128xi32, #tpu.memory_space<hbm>> -> memref<40x128xi32, #tpu.memory_space<hbm>>
      %dma_start3A_98 = arith.constant 0 : i32
      %dma_start3A_99 = arith.constant 0 : i32
      %dma_start3A_100 = tpu.memref_slice %arg3[%add3A, %dma_start3A_98, %dma_start3A_99] : memref<32x80x128xi32, #tpu.memory_space<hbm>> -> memref<1x40x128xi32, #tpu.memory_space<hbm>>
      %dma_start3A_101 = tpu.memref_squeeze %dma_start3A_100 : memref<1x40x128xi32, #tpu.memory_space<hbm>> -> memref<40x128xi32, #tpu.memory_space<hbm>>
      tpu.enqueue_dma source(%dma_start3A_101 : memref<40x128xi32, #tpu.memory_space<hbm>>) target(%arg7 : memref<40x128xi32, #tpu.memory_space<vmem>>) target_semaphore(%run_scoped3A : memref<!tpu.dma_semaphore, #tpu.memory_space<semaphore_mem>>)
      %dma_wait3A = arith.constant 0 : i32
      %dma_wait3A_102 = arith.constant 0 : i32
      %dma_wait3A_103 = tpu.memref_slice %arg3[%add3A, %dma_wait3A, %dma_wait3A_102] : memref<32x80x128xi32, #tpu.memory_space<hbm>> -> memref<1x40x128xi32, #tpu.memory_space<hbm>>
      %dma_wait3A_104 = tpu.memref_squeeze %dma_wait3A_103 : memref<1x40x128xi32, #tpu.memory_space<hbm>> -> memref<40x128xi32, #tpu.memory_space<hbm>>
      %dma_wait3A_105 = arith.constant 0 : i32
      %dma_wait3A_106 = arith.constant 0 : i32
      %dma_wait3A_107 = tpu.memref_slice %arg3[%add3A, %dma_wait3A_105, %dma_wait3A_106] : memref<32x80x128xi32, #tpu.memory_space<hbm>> -> memref<1x40x128xi32, #tpu.memory_space<hbm>>
      %dma_wait3A_108 = tpu.memref_squeeze %dma_wait3A_107 : memref<1x40x128xi32, #tpu.memory_space<hbm>> -> memref<40x128xi32, #tpu.memory_space<hbm>>
      tpu.wait_dma2 semaphore(%run_scoped3A : memref<!tpu.dma_semaphore, #tpu.memory_space<semaphore_mem>>) src(%dma_wait3A_108 : memref<40x128xi32, #tpu.memory_space<hbm>>) dst(%arg7 : memref<40x128xi32, #tpu.memory_space<vmem>>)
      tpu.yield
    }) : () -> ()
    "tpu.region"() ({
      %run_scoped3A = tpu.sem_alloc : memref<!tpu.dma_semaphore, #tpu.memory_space<semaphore_mem>>
      %dma_start3A_94 = arith.constant 0 : i32
      %dma_start3A_95 = arith.constant 0 : i32
      %dma_start3A_96 = tpu.memref_slice %arg4[%arg1, %dma_start3A_94, %dma_start3A_95] : memref<16x80x128xi32, #tpu.memory_space<hbm>> -> memref<1x40x128xi32, #tpu.memory_space<hbm>>
      %dma_start3A_97 = tpu.memref_squeeze %dma_start3A_96 : memref<1x40x128xi32, #tpu.memory_space<hbm>> -> memref<40x128xi32, #tpu.memory_space<hbm>>
      %dma_start3A_98 = arith.constant 0 : i32
      %dma_start3A_99 = arith.constant 0 : i32
      %dma_start3A_100 = tpu.memref_slice %arg4[%arg1, %dma_start3A_98, %dma_start3A_99] : memref<16x80x128xi32, #tpu.memory_space<hbm>> -> memref<1x40x128xi32, #tpu.memory_space<hbm>>
      %dma_start3A_101 = tpu.memref_squeeze %dma_start3A_100 : memref<1x40x128xi32, #tpu.memory_space<hbm>> -> memref<40x128xi32, #tpu.memory_space<hbm>>
      tpu.enqueue_dma source(%dma_start3A_101 : memref<40x128xi32, #tpu.memory_space<hbm>>) target(%arg8 : memref<40x128xi32, #tpu.memory_space<vmem>>) target_semaphore(%run_scoped3A : memref<!tpu.dma_semaphore, #tpu.memory_space<semaphore_mem>>)
      %dma_wait3A = arith.constant 0 : i32
      %dma_wait3A_102 = arith.constant 0 : i32
      %dma_wait3A_103 = tpu.memref_slice %arg4[%arg1, %dma_wait3A, %dma_wait3A_102] : memref<16x80x128xi32, #tpu.memory_space<hbm>> -> memref<1x40x128xi32, #tpu.memory_space<hbm>>
      %dma_wait3A_104 = tpu.memref_squeeze %dma_wait3A_103 : memref<1x40x128xi32, #tpu.memory_space<hbm>> -> memref<40x128xi32, #tpu.memory_space<hbm>>
      %dma_wait3A_105 = arith.constant 0 : i32
      %dma_wait3A_106 = arith.constant 0 : i32
      %dma_wait3A_107 = tpu.memref_slice %arg4[%arg1, %dma_wait3A_105, %dma_wait3A_106] : memref<16x80x128xi32, #tpu.memory_space<hbm>> -> memref<1x40x128xi32, #tpu.memory_space<hbm>>
      %dma_wait3A_108 = tpu.memref_squeeze %dma_wait3A_107 : memref<1x40x128xi32, #tpu.memory_space<hbm>> -> memref<40x128xi32, #tpu.memory_space<hbm>>
      tpu.wait_dma2 semaphore(%run_scoped3A : memref<!tpu.dma_semaphore, #tpu.memory_space<semaphore_mem>>) src(%dma_wait3A_108 : memref<40x128xi32, #tpu.memory_space<hbm>>) dst(%arg8 : memref<40x128xi32, #tpu.memory_space<vmem>>)
      tpu.yield
    }) : () -> ()
    %dma_start3A = arith.constant 0 : i32
    %dma_start3A_27 = arith.constant 0 : i32
    %dma_start3A_28 = tpu.memref_slice %arg7[%dma_start3A, %dma_start3A_27] : memref<40x128xi32, #tpu.memory_space<vmem>> -> memref<1x128xi32, #tpu.memory_space<vmem>>
    %dma_start3A_29 = tpu.memref_squeeze %dma_start3A_28 : memref<1x128xi32, #tpu.memory_space<vmem>> -> memref<128xi32, #tpu.memory_space<vmem>>
    %dma_start3A_30 = arith.constant 0 : i32
    %dma_start3A_31 = arith.constant 0 : i32
    %dma_start3A_32 = tpu.memref_slice %arg2[%dma_start3A_30, %dma_start3A_31] : memref<20000x128xf32, #tpu.memory_space<hbm>> -> memref<20000x128xf32, #tpu.memory_space<hbm>>
    %dma_start3A_33 = arith.constant -1 : i32
    tpu.enqueue_indirect_dma source(%dma_start3A_32 : memref<20000x128xf32, #tpu.memory_space<hbm>>) target(%arg9 : memref<128x128xf32, #tpu.memory_space<vmem>>) offsets(%dma_start3A_29 : memref<128xi32, #tpu.memory_space<vmem>>) offset_filter(%dma_start3A_33) semaphore(%arg11 : memref<!tpu.dma_semaphore, #tpu.memory_space<semaphore_mem>>)
    %scan3A_34 = arith.constant 0 : i32
    %scan3A_35 = arith.constant 0 : i32
    %scan3A_36 = arith.constant 20 : i32
    %scan3A_37 = arith.addi %scan3A_35, %scan3A_36 : i32
    %scan3A_38 = arith.constant 1 : i32
    scf.for %scan3A_94 = %scan3A_35 to %scan3A_37 step %scan3A_38  : i32 {
      %mul3A_95 = arith.constant 2 : i32
      %mul3A_96 = arith.muli %mul3A_95, %scan3A_94 : i32
      %add3A_97 = arith.constant 1 : i32
      %add3A_98 = arith.addi %mul3A_96, %add3A_97 : i32
      %dma_start3A_99 = arith.constant 0 : i32
      %dma_start3A_100 = tpu.memref_slice %arg7[%add3A_98, %dma_start3A_99] : memref<40x128xi32, #tpu.memory_space<vmem>> -> memref<1x128xi32, #tpu.memory_space<vmem>>
      %dma_start3A_101 = tpu.memref_squeeze %dma_start3A_100 : memref<1x128xi32, #tpu.memory_space<vmem>> -> memref<128xi32, #tpu.memory_space<vmem>>
      %dma_start3A_102 = arith.constant 0 : i32
      %dma_start3A_103 = arith.constant 0 : i32
      %dma_start3A_104 = tpu.memref_slice %arg2[%dma_start3A_102, %dma_start3A_103] : memref<20000x128xf32, #tpu.memory_space<hbm>> -> memref<20000x128xf32, #tpu.memory_space<hbm>>
      %dma_start3A_105 = arith.constant -1 : i32
      tpu.enqueue_indirect_dma source(%dma_start3A_104 : memref<20000x128xf32, #tpu.memory_space<hbm>>) target(%arg10 : memref<128x128xf32, #tpu.memory_space<vmem>>) offsets(%dma_start3A_101 : memref<128xi32, #tpu.memory_space<vmem>>) offset_filter(%dma_start3A_105) semaphore(%arg12 : memref<!tpu.dma_semaphore, #tpu.memory_space<semaphore_mem>>)
      %dma_wait3A = arith.constant 0 : i32
      %dma_wait3A_106 = tpu.memref_slice %arg7[%mul3A_96, %dma_wait3A] : memref<40x128xi32, #tpu.memory_space<vmem>> -> memref<1x128xi32, #tpu.memory_space<vmem>>
      %dma_wait3A_107 = tpu.memref_squeeze %dma_wait3A_106 : memref<1x128xi32, #tpu.memory_space<vmem>> -> memref<128xi32, #tpu.memory_space<vmem>>
      %dma_wait3A_108 = arith.constant 0 : i32
      %dma_wait3A_109 = arith.constant 0 : i32
      %dma_wait3A_110 = tpu.memref_slice %arg2[%dma_wait3A_108, %dma_wait3A_109] : memref<20000x128xf32, #tpu.memory_space<hbm>> -> memref<20000x128xf32, #tpu.memory_space<hbm>>
      tpu.wait_indirect_dma semaphore(%arg11 : memref<!tpu.dma_semaphore, #tpu.memory_space<semaphore_mem>>) src(%dma_wait3A_110 : memref<20000x128xf32, #tpu.memory_space<hbm>>) dst(%arg9 : memref<128x128xf32, #tpu.memory_space<vmem>>)
      "tpu.region"() ({
        %run_scoped3A = tpu.sem_alloc : memref<!tpu.dma_semaphore, #tpu.memory_space<semaphore_mem>>
        %dma_start3A_125 = arith.constant 0 : i32
        %dma_start3A_126 = tpu.memref_slice %arg8[%mul3A_96, %dma_start3A_125] : memref<40x128xi32, #tpu.memory_space<vmem>> -> memref<1x128xi32, #tpu.memory_space<vmem>>
        %dma_start3A_127 = tpu.memref_squeeze %dma_start3A_126 : memref<1x128xi32, #tpu.memory_space<vmem>> -> memref<128xi32, #tpu.memory_space<vmem>>
        %dma_start3A_128 = arith.constant 0 : i32
        %dma_start3A_129 = arith.constant 0 : i32
        %dma_start3A_130 = tpu.memref_slice %arg6[%dma_start3A_128, %dma_start3A_129] : memref<10112x128xf32, #tpu.memory_space<vmem_shared>> -> memref<10112x128xf32, #tpu.memory_space<vmem_shared>>
        %dma_start3A_131 = arith.constant -1 : i32
        tpu.enqueue_indirect_dma source(%arg9 : memref<128x128xf32, #tpu.memory_space<vmem>>) target(%dma_start3A_130 : memref<10112x128xf32, #tpu.memory_space<vmem_shared>>) offsets(%dma_start3A_127 : memref<128xi32, #tpu.memory_space<vmem>>) offset_filter(%dma_start3A_131) semaphore(%run_scoped3A : memref<!tpu.dma_semaphore, #tpu.memory_space<semaphore_mem>>) {add = true}
        %dma_wait3A_132 = arith.constant 0 : i32
        %dma_wait3A_133 = tpu.memref_slice %arg8[%mul3A_96, %dma_wait3A_132] : memref<40x128xi32, #tpu.memory_space<vmem>> -> memref<1x128xi32, #tpu.memory_space<vmem>>
        %dma_wait3A_134 = tpu.memref_squeeze %dma_wait3A_133 : memref<1x128xi32, #tpu.memory_space<vmem>> -> memref<128xi32, #tpu.memory_space<vmem>>
        %dma_wait3A_135 = arith.constant 0 : i32
        %dma_wait3A_136 = arith.constant 0 : i32
        %dma_wait3A_137 = tpu.memref_slice %arg6[%dma_wait3A_135, %dma_wait3A_136] : memref<10112x128xf32, #tpu.memory_space<vmem_shared>> -> memref<10112x128xf32, #tpu.memory_space<vmem_shared>>
        tpu.wait_indirect_dma semaphore(%run_scoped3A : memref<!tpu.dma_semaphore, #tpu.memory_space<semaphore_mem>>) src(%arg9 : memref<128x128xf32, #tpu.memory_space<vmem>>) dst(%dma_wait3A_137 : memref<10112x128xf32, #tpu.memory_space<vmem_shared>>)
        tpu.yield
      }) : () -> ()
      %add3A_111 = arith.constant 1 : i32
      %add3A_112 = arith.addi %scan3A_94, %add3A_111 : i32
      %lt3A = arith.constant 20 : i32
      %lt3A_113 = arith.cmpi slt, %add3A_112, %lt3A : i32
      %convert_element_type3A = arith.extui %lt3A_113 : i1 to i32
      %cond3A = arith.constant 0 : i32
      %cond3A_114 = arith.cmpi ne, %convert_element_type3A, %cond3A : i32
      scf.if %cond3A_114 {
        %add3A_125 = arith.constant 2 : i32
        %add3A_126 = arith.addi %mul3A_96, %add3A_125 : i32
        %dma_start3A_127 = arith.constant 0 : i32
        %dma_start3A_128 = tpu.memref_slice %arg7[%add3A_126, %dma_start3A_127] : memref<40x128xi32, #tpu.memory_space<vmem>> -> memref<1x128xi32, #tpu.memory_space<vmem>>
        %dma_start3A_129 = tpu.memref_squeeze %dma_start3A_128 : memref<1x128xi32, #tpu.memory_space<vmem>> -> memref<128xi32, #tpu.memory_space<vmem>>
        %dma_start3A_130 = arith.constant 0 : i32
        %dma_start3A_131 = arith.constant 0 : i32
        %dma_start3A_132 = tpu.memref_slice %arg2[%dma_start3A_130, %dma_start3A_131] : memref<20000x128xf32, #tpu.memory_space<hbm>> -> memref<20000x128xf32, #tpu.memory_space<hbm>>
        %dma_start3A_133 = arith.constant -1 : i32
        tpu.enqueue_indirect_dma source(%dma_start3A_132 : memref<20000x128xf32, #tpu.memory_space<hbm>>) target(%arg9 : memref<128x128xf32, #tpu.memory_space<vmem>>) offsets(%dma_start3A_129 : memref<128xi32, #tpu.memory_space<vmem>>) offset_filter(%dma_start3A_133) semaphore(%arg11 : memref<!tpu.dma_semaphore, #tpu.memory_space<semaphore_mem>>)
      } else {
      }
      %add3A_115 = arith.constant 1 : i32
      %add3A_116 = arith.addi %mul3A_96, %add3A_115 : i32
      %dma_wait3A_117 = arith.constant 0 : i32
      %dma_wait3A_118 = tpu.memref_slice %arg7[%add3A_116, %dma_wait3A_117] : memref<40x128xi32, #tpu.memory_space<vmem>> -> memref<1x128xi32, #tpu.memory_space<vmem>>
      %dma_wait3A_119 = tpu.memref_squeeze %dma_wait3A_118 : memref<1x128xi32, #tpu.memory_space<vmem>> -> memref<128xi32, #tpu.memory_space<vmem>>
      %dma_wait3A_120 = arith.constant 0 : i32
      %dma_wait3A_121 = arith.constant 0 : i32
      %dma_wait3A_122 = tpu.memref_slice %arg2[%dma_wait3A_120, %dma_wait3A_121] : memref<20000x128xf32, #tpu.memory_space<hbm>> -> memref<20000x128xf32, #tpu.memory_space<hbm>>
      tpu.wait_indirect_dma semaphore(%arg12 : memref<!tpu.dma_semaphore, #tpu.memory_space<semaphore_mem>>) src(%dma_wait3A_122 : memref<20000x128xf32, #tpu.memory_space<hbm>>) dst(%arg10 : memref<128x128xf32, #tpu.memory_space<vmem>>)
      %add3A_123 = arith.constant 1 : i32
      %add3A_124 = arith.addi %mul3A_96, %add3A_123 : i32
      "tpu.region"() ({
        %run_scoped3A = tpu.sem_alloc : memref<!tpu.dma_semaphore, #tpu.memory_space<semaphore_mem>>
        %dma_start3A_125 = arith.constant 0 : i32
        %dma_start3A_126 = tpu.memref_slice %arg8[%add3A_124, %dma_start3A_125] : memref<40x128xi32, #tpu.memory_space<vmem>> -> memref<1x128xi32, #tpu.memory_space<vmem>>
        %dma_start3A_127 = tpu.memref_squeeze %dma_start3A_126 : memref<1x128xi32, #tpu.memory_space<vmem>> -> memref<128xi32, #tpu.memory_space<vmem>>
        %dma_start3A_128 = arith.constant 0 : i32
        %dma_start3A_129 = arith.constant 0 : i32
        %dma_start3A_130 = tpu.memref_slice %arg6[%dma_start3A_128, %dma_start3A_129] : memref<10112x128xf32, #tpu.memory_space<vmem_shared>> -> memref<10112x128xf32, #tpu.memory_space<vmem_shared>>
        %dma_start3A_131 = arith.constant -1 : i32
        tpu.enqueue_indirect_dma source(%arg10 : memref<128x128xf32, #tpu.memory_space<vmem>>) target(%dma_start3A_130 : memref<10112x128xf32, #tpu.memory_space<vmem_shared>>) offsets(%dma_start3A_127 : memref<128xi32, #tpu.memory_space<vmem>>) offset_filter(%dma_start3A_131) semaphore(%run_scoped3A : memref<!tpu.dma_semaphore, #tpu.memory_space<semaphore_mem>>) {add = true}
        %dma_wait3A_132 = arith.constant 0 : i32
        %dma_wait3A_133 = tpu.memref_slice %arg8[%add3A_124, %dma_wait3A_132] : memref<40x128xi32, #tpu.memory_space<vmem>> -> memref<1x128xi32, #tpu.memory_space<vmem>>
        %dma_wait3A_134 = tpu.memref_squeeze %dma_wait3A_133 : memref<1x128xi32, #tpu.memory_space<vmem>> -> memref<128xi32, #tpu.memory_space<vmem>>
        %dma_wait3A_135 = arith.constant 0 : i32
        %dma_wait3A_136 = arith.constant 0 : i32
        %dma_wait3A_137 = tpu.memref_slice %arg6[%dma_wait3A_135, %dma_wait3A_136] : memref<10112x128xf32, #tpu.memory_space<vmem_shared>> -> memref<10112x128xf32, #tpu.memory_space<vmem_shared>>
        tpu.wait_indirect_dma semaphore(%run_scoped3A : memref<!tpu.dma_semaphore, #tpu.memory_space<semaphore_mem>>) src(%arg10 : memref<128x128xf32, #tpu.memory_space<vmem>>) dst(%dma_wait3A_137 : memref<10112x128xf32, #tpu.memory_space<vmem_shared>>)
        tpu.yield
      }) : () -> ()
    }
    %scan3A_39 = arith.constant 20 : i32
    "tpu.region"() ({
      %run_scoped3A = tpu.sem_alloc : memref<!tpu.dma_semaphore, #tpu.memory_space<semaphore_mem>>
      %dma_start3A_94 = arith.constant 40 : i32
      %dma_start3A_95 = arith.constant 0 : i32
      %dma_start3A_96 = tpu.memref_slice %arg3[%add3A, %dma_start3A_94, %dma_start3A_95] : memref<32x80x128xi32, #tpu.memory_space<hbm>> -> memref<1x40x128xi32, #tpu.memory_space<hbm>>
      %dma_start3A_97 = tpu.memref_squeeze %dma_start3A_96 : memref<1x40x128xi32, #tpu.memory_space<hbm>> -> memref<40x128xi32, #tpu.memory_space<hbm>>
      %dma_start3A_98 = arith.constant 40 : i32
      %dma_start3A_99 = arith.constant 0 : i32
      %dma_start3A_100 = tpu.memref_slice %arg3[%add3A, %dma_start3A_98, %dma_start3A_99] : memref<32x80x128xi32, #tpu.memory_space<hbm>> -> memref<1x40x128xi32, #tpu.memory_space<hbm>>
      %dma_start3A_101 = tpu.memref_squeeze %dma_start3A_100 : memref<1x40x128xi32, #tpu.memory_space<hbm>> -> memref<40x128xi32, #tpu.memory_space<hbm>>
      tpu.enqueue_dma source(%dma_start3A_101 : memref<40x128xi32, #tpu.memory_space<hbm>>) target(%arg7 : memref<40x128xi32, #tpu.memory_space<vmem>>) target_semaphore(%run_scoped3A : memref<!tpu.dma_semaphore, #tpu.memory_space<semaphore_mem>>)
      %dma_wait3A = arith.constant 40 : i32
      %dma_wait3A_102 = arith.constant 0 : i32
      %dma_wait3A_103 = tpu.memref_slice %arg3[%add3A, %dma_wait3A, %dma_wait3A_102] : memref<32x80x128xi32, #tpu.memory_space<hbm>> -> memref<1x40x128xi32, #tpu.memory_space<hbm>>
      %dma_wait3A_104 = tpu.memref_squeeze %dma_wait3A_103 : memref<1x40x128xi32, #tpu.memory_space<hbm>> -> memref<40x128xi32, #tpu.memory_space<hbm>>
      %dma_wait3A_105 = arith.constant 40 : i32
      %dma_wait3A_106 = arith.constant 0 : i32
      %dma_wait3A_107 = tpu.memref_slice %arg3[%add3A, %dma_wait3A_105, %dma_wait3A_106] : memref<32x80x128xi32, #tpu.memory_space<hbm>> -> memref<1x40x128xi32, #tpu.memory_space<hbm>>
      %dma_wait3A_108 = tpu.memref_squeeze %dma_wait3A_107 : memref<1x40x128xi32, #tpu.memory_space<hbm>> -> memref<40x128xi32, #tpu.memory_space<hbm>>
      tpu.wait_dma2 semaphore(%run_scoped3A : memref<!tpu.dma_semaphore, #tpu.memory_space<semaphore_mem>>) src(%dma_wait3A_108 : memref<40x128xi32, #tpu.memory_space<hbm>>) dst(%arg7 : memref<40x128xi32, #tpu.memory_space<vmem>>)
      tpu.yield
    }) : () -> ()
    "tpu.region"() ({
      %run_scoped3A = tpu.sem_alloc : memref<!tpu.dma_semaphore, #tpu.memory_space<semaphore_mem>>
      %dma_start3A_94 = arith.constant 40 : i32
      %dma_start3A_95 = arith.constant 0 : i32
      %dma_start3A_96 = tpu.memref_slice %arg4[%arg1, %dma_start3A_94, %dma_start3A_95] : memref<16x80x128xi32, #tpu.memory_space<hbm>> -> memref<1x40x128xi32, #tpu.memory_space<hbm>>
      %dma_start3A_97 = tpu.memref_squeeze %dma_start3A_96 : memref<1x40x128xi32, #tpu.memory_space<hbm>> -> memref<40x128xi32, #tpu.memory_space<hbm>>
      %dma_start3A_98 = arith.constant 40 : i32
      %dma_start3A_99 = arith.constant 0 : i32
      %dma_start3A_100 = tpu.memref_slice %arg4[%arg1, %dma_start3A_98, %dma_start3A_99] : memref<16x80x128xi32, #tpu.memory_space<hbm>> -> memref<1x40x128xi32, #tpu.memory_space<hbm>>
      %dma_start3A_101 = tpu.memref_squeeze %dma_start3A_100 : memref<1x40x128xi32, #tpu.memory_space<hbm>> -> memref<40x128xi32, #tpu.memory_space<hbm>>
      tpu.enqueue_dma source(%dma_start3A_101 : memref<40x128xi32, #tpu.memory_space<hbm>>) target(%arg8 : memref<40x128xi32, #tpu.memory_space<vmem>>) target_semaphore(%run_scoped3A : memref<!tpu.dma_semaphore, #tpu.memory_space<semaphore_mem>>)
      %dma_wait3A = arith.constant 40 : i32
      %dma_wait3A_102 = arith.constant 0 : i32
      %dma_wait3A_103 = tpu.memref_slice %arg4[%arg1, %dma_wait3A, %dma_wait3A_102] : memref<16x80x128xi32, #tpu.memory_space<hbm>> -> memref<1x40x128xi32, #tpu.memory_space<hbm>>
      %dma_wait3A_104 = tpu.memref_squeeze %dma_wait3A_103 : memref<1x40x128xi32, #tpu.memory_space<hbm>> -> memref<40x128xi32, #tpu.memory_space<hbm>>
      %dma_wait3A_105 = arith.constant 40 : i32
      %dma_wait3A_106 = arith.constant 0 : i32
      %dma_wait3A_107 = tpu.memref_slice %arg4[%arg1, %dma_wait3A_105, %dma_wait3A_106] : memref<16x80x128xi32, #tpu.memory_space<hbm>> -> memref<1x40x128xi32, #tpu.memory_space<hbm>>
      %dma_wait3A_108 = tpu.memref_squeeze %dma_wait3A_107 : memref<1x40x128xi32, #tpu.memory_space<hbm>> -> memref<40x128xi32, #tpu.memory_space<hbm>>
      tpu.wait_dma2 semaphore(%run_scoped3A : memref<!tpu.dma_semaphore, #tpu.memory_space<semaphore_mem>>) src(%dma_wait3A_108 : memref<40x128xi32, #tpu.memory_space<hbm>>) dst(%arg8 : memref<40x128xi32, #tpu.memory_space<vmem>>)
      tpu.yield
    }) : () -> ()
    %dma_start3A_40 = arith.constant 0 : i32
    %dma_start3A_41 = arith.constant 0 : i32
    %dma_start3A_42 = tpu.memref_slice %arg7[%dma_start3A_40, %dma_start3A_41] : memref<40x128xi32, #tpu.memory_space<vmem>> -> memref<1x128xi32, #tpu.memory_space<vmem>>
    %dma_start3A_43 = tpu.memref_squeeze %dma_start3A_42 : memref<1x128xi32, #tpu.memory_space<vmem>> -> memref<128xi32, #tpu.memory_space<vmem>>
    %dma_start3A_44 = arith.constant 0 : i32
    %dma_start3A_45 = arith.constant 0 : i32
    %dma_start3A_46 = tpu.memref_slice %arg2[%dma_start3A_44, %dma_start3A_45] : memref<20000x128xf32, #tpu.memory_space<hbm>> -> memref<20000x128xf32, #tpu.memory_space<hbm>>
    %dma_start3A_47 = arith.constant -1 : i32
    tpu.enqueue_indirect_dma source(%dma_start3A_46 : memref<20000x128xf32, #tpu.memory_space<hbm>>) target(%arg9 : memref<128x128xf32, #tpu.memory_space<vmem>>) offsets(%dma_start3A_43 : memref<128xi32, #tpu.memory_space<vmem>>) offset_filter(%dma_start3A_47) semaphore(%arg11 : memref<!tpu.dma_semaphore, #tpu.memory_space<semaphore_mem>>)
    %scan3A_48 = arith.constant 0 : i32
    %scan3A_49 = arith.constant 0 : i32
    %scan3A_50 = arith.constant 20 : i32
    %scan3A_51 = arith.addi %scan3A_49, %scan3A_50 : i32
    %scan3A_52 = arith.constant 1 : i32
    scf.for %scan3A_94 = %scan3A_49 to %scan3A_51 step %scan3A_52  : i32 {
      %mul3A_95 = arith.constant 2 : i32
      %mul3A_96 = arith.muli %mul3A_95, %scan3A_94 : i32
      %add3A_97 = arith.constant 1 : i32
      %add3A_98 = arith.addi %mul3A_96, %add3A_97 : i32
      %dma_start3A_99 = arith.constant 0 : i32
      %dma_start3A_100 = tpu.memref_slice %arg7[%add3A_98, %dma_start3A_99] : memref<40x128xi32, #tpu.memory_space<vmem>> -> memref<1x128xi32, #tpu.memory_space<vmem>>
      %dma_start3A_101 = tpu.memref_squeeze %dma_start3A_100 : memref<1x128xi32, #tpu.memory_space<vmem>> -> memref<128xi32, #tpu.memory_space<vmem>>
      %dma_start3A_102 = arith.constant 0 : i32
      %dma_start3A_103 = arith.constant 0 : i32
      %dma_start3A_104 = tpu.memref_slice %arg2[%dma_start3A_102, %dma_start3A_103] : memref<20000x128xf32, #tpu.memory_space<hbm>> -> memref<20000x128xf32, #tpu.memory_space<hbm>>
      %dma_start3A_105 = arith.constant -1 : i32
      tpu.enqueue_indirect_dma source(%dma_start3A_104 : memref<20000x128xf32, #tpu.memory_space<hbm>>) target(%arg10 : memref<128x128xf32, #tpu.memory_space<vmem>>) offsets(%dma_start3A_101 : memref<128xi32, #tpu.memory_space<vmem>>) offset_filter(%dma_start3A_105) semaphore(%arg12 : memref<!tpu.dma_semaphore, #tpu.memory_space<semaphore_mem>>)
      %dma_wait3A = arith.constant 0 : i32
      %dma_wait3A_106 = tpu.memref_slice %arg7[%mul3A_96, %dma_wait3A] : memref<40x128xi32, #tpu.memory_space<vmem>> -> memref<1x128xi32, #tpu.memory_space<vmem>>
      %dma_wait3A_107 = tpu.memref_squeeze %dma_wait3A_106 : memref<1x128xi32, #tpu.memory_space<vmem>> -> memref<128xi32, #tpu.memory_space<vmem>>
      %dma_wait3A_108 = arith.constant 0 : i32
      %dma_wait3A_109 = arith.constant 0 : i32
      %dma_wait3A_110 = tpu.memref_slice %arg2[%dma_wait3A_108, %dma_wait3A_109] : memref<20000x128xf32, #tpu.memory_space<hbm>> -> memref<20000x128xf32, #tpu.memory_space<hbm>>
      tpu.wait_indirect_dma semaphore(%arg11 : memref<!tpu.dma_semaphore, #tpu.memory_space<semaphore_mem>>) src(%dma_wait3A_110 : memref<20000x128xf32, #tpu.memory_space<hbm>>) dst(%arg9 : memref<128x128xf32, #tpu.memory_space<vmem>>)
      "tpu.region"() ({
        %run_scoped3A = tpu.sem_alloc : memref<!tpu.dma_semaphore, #tpu.memory_space<semaphore_mem>>
        %dma_start3A_125 = arith.constant 0 : i32
        %dma_start3A_126 = tpu.memref_slice %arg8[%mul3A_96, %dma_start3A_125] : memref<40x128xi32, #tpu.memory_space<vmem>> -> memref<1x128xi32, #tpu.memory_space<vmem>>
        %dma_start3A_127 = tpu.memref_squeeze %dma_start3A_126 : memref<1x128xi32, #tpu.memory_space<vmem>> -> memref<128xi32, #tpu.memory_space<vmem>>
        %dma_start3A_128 = arith.constant 0 : i32
        %dma_start3A_129 = arith.constant 0 : i32
        %dma_start3A_130 = tpu.memref_slice %arg6[%dma_start3A_128, %dma_start3A_129] : memref<10112x128xf32, #tpu.memory_space<vmem_shared>> -> memref<10112x128xf32, #tpu.memory_space<vmem_shared>>
        %dma_start3A_131 = arith.constant -1 : i32
        tpu.enqueue_indirect_dma source(%arg9 : memref<128x128xf32, #tpu.memory_space<vmem>>) target(%dma_start3A_130 : memref<10112x128xf32, #tpu.memory_space<vmem_shared>>) offsets(%dma_start3A_127 : memref<128xi32, #tpu.memory_space<vmem>>) offset_filter(%dma_start3A_131) semaphore(%run_scoped3A : memref<!tpu.dma_semaphore, #tpu.memory_space<semaphore_mem>>) {add = true}
        %dma_wait3A_132 = arith.constant 0 : i32
        %dma_wait3A_133 = tpu.memref_slice %arg8[%mul3A_96, %dma_wait3A_132] : memref<40x128xi32, #tpu.memory_space<vmem>> -> memref<1x128xi32, #tpu.memory_space<vmem>>
        %dma_wait3A_134 = tpu.memref_squeeze %dma_wait3A_133 : memref<1x128xi32, #tpu.memory_space<vmem>> -> memref<128xi32, #tpu.memory_space<vmem>>
        %dma_wait3A_135 = arith.constant 0 : i32
        %dma_wait3A_136 = arith.constant 0 : i32
        %dma_wait3A_137 = tpu.memref_slice %arg6[%dma_wait3A_135, %dma_wait3A_136] : memref<10112x128xf32, #tpu.memory_space<vmem_shared>> -> memref<10112x128xf32, #tpu.memory_space<vmem_shared>>
        tpu.wait_indirect_dma semaphore(%run_scoped3A : memref<!tpu.dma_semaphore, #tpu.memory_space<semaphore_mem>>) src(%arg9 : memref<128x128xf32, #tpu.memory_space<vmem>>) dst(%dma_wait3A_137 : memref<10112x128xf32, #tpu.memory_space<vmem_shared>>)
        tpu.yield
      }) : () -> ()
      %add3A_111 = arith.constant 1 : i32
      %add3A_112 = arith.addi %scan3A_94, %add3A_111 : i32
      %lt3A = arith.constant 20 : i32
      %lt3A_113 = arith.cmpi slt, %add3A_112, %lt3A : i32
      %convert_element_type3A = arith.extui %lt3A_113 : i1 to i32
      %cond3A = arith.constant 0 : i32
      %cond3A_114 = arith.cmpi ne, %convert_element_type3A, %cond3A : i32
      scf.if %cond3A_114 {
        %add3A_125 = arith.constant 2 : i32
        %add3A_126 = arith.addi %mul3A_96, %add3A_125 : i32
        %dma_start3A_127 = arith.constant 0 : i32
        %dma_start3A_128 = tpu.memref_slice %arg7[%add3A_126, %dma_start3A_127] : memref<40x128xi32, #tpu.memory_space<vmem>> -> memref<1x128xi32, #tpu.memory_space<vmem>>
        %dma_start3A_129 = tpu.memref_squeeze %dma_start3A_128 : memref<1x128xi32, #tpu.memory_space<vmem>> -> memref<128xi32, #tpu.memory_space<vmem>>
        %dma_start3A_130 = arith.constant 0 : i32
        %dma_start3A_131 = arith.constant 0 : i32
        %dma_start3A_132 = tpu.memref_slice %arg2[%dma_start3A_130, %dma_start3A_131] : memref<20000x128xf32, #tpu.memory_space<hbm>> -> memref<20000x128xf32, #tpu.memory_space<hbm>>
        %dma_start3A_133 = arith.constant -1 : i32
        tpu.enqueue_indirect_dma source(%dma_start3A_132 : memref<20000x128xf32, #tpu.memory_space<hbm>>) target(%arg9 : memref<128x128xf32, #tpu.memory_space<vmem>>) offsets(%dma_start3A_129 : memref<128xi32, #tpu.memory_space<vmem>>) offset_filter(%dma_start3A_133) semaphore(%arg11 : memref<!tpu.dma_semaphore, #tpu.memory_space<semaphore_mem>>)
      } else {
      }
      %add3A_115 = arith.constant 1 : i32
      %add3A_116 = arith.addi %mul3A_96, %add3A_115 : i32
      %dma_wait3A_117 = arith.constant 0 : i32
      %dma_wait3A_118 = tpu.memref_slice %arg7[%add3A_116, %dma_wait3A_117] : memref<40x128xi32, #tpu.memory_space<vmem>> -> memref<1x128xi32, #tpu.memory_space<vmem>>
      %dma_wait3A_119 = tpu.memref_squeeze %dma_wait3A_118 : memref<1x128xi32, #tpu.memory_space<vmem>> -> memref<128xi32, #tpu.memory_space<vmem>>
      %dma_wait3A_120 = arith.constant 0 : i32
      %dma_wait3A_121 = arith.constant 0 : i32
      %dma_wait3A_122 = tpu.memref_slice %arg2[%dma_wait3A_120, %dma_wait3A_121] : memref<20000x128xf32, #tpu.memory_space<hbm>> -> memref<20000x128xf32, #tpu.memory_space<hbm>>
      tpu.wait_indirect_dma semaphore(%arg12 : memref<!tpu.dma_semaphore, #tpu.memory_space<semaphore_mem>>) src(%dma_wait3A_122 : memref<20000x128xf32, #tpu.memory_space<hbm>>) dst(%arg10 : memref<128x128xf32, #tpu.memory_space<vmem>>)
      %add3A_123 = arith.constant 1 : i32
      %add3A_124 = arith.addi %mul3A_96, %add3A_123 : i32
      "tpu.region"() ({
        %run_scoped3A = tpu.sem_alloc : memref<!tpu.dma_semaphore, #tpu.memory_space<semaphore_mem>>
        %dma_start3A_125 = arith.constant 0 : i32
        %dma_start3A_126 = tpu.memref_slice %arg8[%add3A_124, %dma_start3A_125] : memref<40x128xi32, #tpu.memory_space<vmem>> -> memref<1x128xi32, #tpu.memory_space<vmem>>
        %dma_start3A_127 = tpu.memref_squeeze %dma_start3A_126 : memref<1x128xi32, #tpu.memory_space<vmem>> -> memref<128xi32, #tpu.memory_space<vmem>>
        %dma_start3A_128 = arith.constant 0 : i32
        %dma_start3A_129 = arith.constant 0 : i32
        %dma_start3A_130 = tpu.memref_slice %arg6[%dma_start3A_128, %dma_start3A_129] : memref<10112x128xf32, #tpu.memory_space<vmem_shared>> -> memref<10112x128xf32, #tpu.memory_space<vmem_shared>>
        %dma_start3A_131 = arith.constant -1 : i32
        tpu.enqueue_indirect_dma source(%arg10 : memref<128x128xf32, #tpu.memory_space<vmem>>) target(%dma_start3A_130 : memref<10112x128xf32, #tpu.memory_space<vmem_shared>>) offsets(%dma_start3A_127 : memref<128xi32, #tpu.memory_space<vmem>>) offset_filter(%dma_start3A_131) semaphore(%run_scoped3A : memref<!tpu.dma_semaphore, #tpu.memory_space<semaphore_mem>>) {add = true}
        %dma_wait3A_132 = arith.constant 0 : i32
        %dma_wait3A_133 = tpu.memref_slice %arg8[%add3A_124, %dma_wait3A_132] : memref<40x128xi32, #tpu.memory_space<vmem>> -> memref<1x128xi32, #tpu.memory_space<vmem>>
        %dma_wait3A_134 = tpu.memref_squeeze %dma_wait3A_133 : memref<1x128xi32, #tpu.memory_space<vmem>> -> memref<128xi32, #tpu.memory_space<vmem>>
        %dma_wait3A_135 = arith.constant 0 : i32
        %dma_wait3A_136 = arith.constant 0 : i32
        %dma_wait3A_137 = tpu.memref_slice %arg6[%dma_wait3A_135, %dma_wait3A_136] : memref<10112x128xf32, #tpu.memory_space<vmem_shared>> -> memref<10112x128xf32, #tpu.memory_space<vmem_shared>>
        tpu.wait_indirect_dma semaphore(%run_scoped3A : memref<!tpu.dma_semaphore, #tpu.memory_space<semaphore_mem>>) src(%arg10 : memref<128x128xf32, #tpu.memory_space<vmem>>) dst(%dma_wait3A_137 : memref<10112x128xf32, #tpu.memory_space<vmem_shared>>)
        tpu.yield
      }) : () -> ()
    }
    %scan3A_53 = arith.constant 20 : i32
    %barrier3A_54 = arith.constant 0 : index
    tpu.barrier barrier_id(%barrier3A_54)
    %mul3A_55 = arith.constant 10112 : i32
    %mul3A_56 = arith.muli %arg0, %mul3A_55 : i32
    %mul3A_57 = arith.constant 632 : i32
    %mul3A_58 = arith.muli %arg1, %mul3A_57 : i32
    %add3A_59 = arith.addi %mul3A_56, %mul3A_58 : i32
    %mul3A_60 = arith.constant 632 : i32
    %mul3A_61 = arith.muli %arg1, %mul3A_60 : i32
    %add3A_62 = arith.constant 0 : i32
    %add3A_63 = arith.addi %mul3A_61, %add3A_62 : i32
    "tpu.region"() ({
      %run_scoped3A = tpu.sem_alloc : memref<!tpu.dma_semaphore, #tpu.memory_space<semaphore_mem>>
      %dma_start3A_94 = arith.constant 0 : i32
      %dma_start3A_95 = tpu.memref_slice %arg6[%add3A_63, %dma_start3A_94] : memref<10112x128xf32, #tpu.memory_space<vmem_shared>> -> memref<128x128xf32, #tpu.memory_space<vmem_shared>>
      %dma_start3A_96 = arith.constant 0 : i32
      %dma_start3A_97 = tpu.memref_slice %arg6[%add3A_63, %dma_start3A_96] : memref<10112x128xf32, #tpu.memory_space<vmem_shared>> -> memref<128x128xf32, #tpu.memory_space<vmem_shared>>
      tpu.enqueue_dma source(%dma_start3A_97 : memref<128x128xf32, #tpu.memory_space<vmem_shared>>) target(%arg9 : memref<128x128xf32, #tpu.memory_space<vmem>>) target_semaphore(%run_scoped3A : memref<!tpu.dma_semaphore, #tpu.memory_space<semaphore_mem>>)
      %dma_wait3A = arith.constant 0 : i32
      %dma_wait3A_98 = tpu.memref_slice %arg6[%add3A_63, %dma_wait3A] : memref<10112x128xf32, #tpu.memory_space<vmem_shared>> -> memref<128x128xf32, #tpu.memory_space<vmem_shared>>
      %dma_wait3A_99 = arith.constant 0 : i32
      %dma_wait3A_100 = tpu.memref_slice %arg6[%add3A_63, %dma_wait3A_99] : memref<10112x128xf32, #tpu.memory_space<vmem_shared>> -> memref<128x128xf32, #tpu.memory_space<vmem_shared>>
      tpu.wait_dma2 semaphore(%run_scoped3A : memref<!tpu.dma_semaphore, #tpu.memory_space<semaphore_mem>>) src(%dma_wait3A_100 : memref<128x128xf32, #tpu.memory_space<vmem_shared>>) dst(%arg9 : memref<128x128xf32, #tpu.memory_space<vmem>>)
      tpu.yield
    }) : () -> ()
    %add3A_64 = arith.constant 0 : i32
    %add3A_65 = arith.addi %add3A_59, %add3A_64 : i32
    "tpu.region"() ({
      %run_scoped3A = tpu.sem_alloc : memref<!tpu.dma_semaphore, #tpu.memory_space<semaphore_mem>>
      %dma_start3A_94 = arith.constant 0 : i32
      %dma_start3A_95 = tpu.memref_slice %arg5[%add3A_65, %dma_start3A_94] : memref<20224x128xf32, #tpu.memory_space<hbm>> -> memref<128x128xf32, #tpu.memory_space<hbm>>
      %dma_start3A_96 = arith.constant 0 : i32
      %dma_start3A_97 = tpu.memref_slice %arg5[%add3A_65, %dma_start3A_96] : memref<20224x128xf32, #tpu.memory_space<hbm>> -> memref<128x128xf32, #tpu.memory_space<hbm>>
      tpu.enqueue_dma source(%arg9 : memref<128x128xf32, #tpu.memory_space<vmem>>) target(%dma_start3A_97 : memref<128x128xf32, #tpu.memory_space<hbm>>) target_semaphore(%run_scoped3A : memref<!tpu.dma_semaphore, #tpu.memory_space<semaphore_mem>>)
      %dma_wait3A = arith.constant 0 : i32
      %dma_wait3A_98 = tpu.memref_slice %arg5[%add3A_65, %dma_wait3A] : memref<20224x128xf32, #tpu.memory_space<hbm>> -> memref<128x128xf32, #tpu.memory_space<hbm>>
      %dma_wait3A_99 = arith.constant 0 : i32
      %dma_wait3A_100 = tpu.memref_slice %arg5[%add3A_65, %dma_wait3A_99] : memref<20224x128xf32, #tpu.memory_space<hbm>> -> memref<128x128xf32, #tpu.memory_space<hbm>>
      tpu.wait_dma2 semaphore(%run_scoped3A : memref<!tpu.dma_semaphore, #tpu.memory_space<semaphore_mem>>) src(%arg9 : memref<128x128xf32, #tpu.memory_space<vmem>>) dst(%dma_wait3A_100 : memref<128x128xf32, #tpu.memory_space<hbm>>)
      tpu.yield
    }) : () -> ()
    %mul3A_66 = arith.constant 632 : i32
    %mul3A_67 = arith.muli %arg1, %mul3A_66 : i32
    %add3A_68 = arith.constant 128 : i32
    %add3A_69 = arith.addi %mul3A_67, %add3A_68 : i32
    "tpu.region"() ({
      %run_scoped3A = tpu.sem_alloc : memref<!tpu.dma_semaphore, #tpu.memory_space<semaphore_mem>>
      %dma_start3A_94 = arith.constant 0 : i32
      %dma_start3A_95 = tpu.memref_slice %arg6[%add3A_69, %dma_start3A_94] : memref<10112x128xf32, #tpu.memory_space<vmem_shared>> -> memref<128x128xf32, #tpu.memory_space<vmem_shared>>
      %dma_start3A_96 = arith.constant 0 : i32
      %dma_start3A_97 = tpu.memref_slice %arg6[%add3A_69, %dma_start3A_96] : memref<10112x128xf32, #tpu.memory_space<vmem_shared>> -> memref<128x128xf32, #tpu.memory_space<vmem_shared>>
      tpu.enqueue_dma source(%dma_start3A_97 : memref<128x128xf32, #tpu.memory_space<vmem_shared>>) target(%arg9 : memref<128x128xf32, #tpu.memory_space<vmem>>) target_semaphore(%run_scoped3A : memref<!tpu.dma_semaphore, #tpu.memory_space<semaphore_mem>>)
      %dma_wait3A = arith.constant 0 : i32
      %dma_wait3A_98 = tpu.memref_slice %arg6[%add3A_69, %dma_wait3A] : memref<10112x128xf32, #tpu.memory_space<vmem_shared>> -> memref<128x128xf32, #tpu.memory_space<vmem_shared>>
      %dma_wait3A_99 = arith.constant 0 : i32
      %dma_wait3A_100 = tpu.memref_slice %arg6[%add3A_69, %dma_wait3A_99] : memref<10112x128xf32, #tpu.memory_space<vmem_shared>> -> memref<128x128xf32, #tpu.memory_space<vmem_shared>>
      tpu.wait_dma2 semaphore(%run_scoped3A : memref<!tpu.dma_semaphore, #tpu.memory_space<semaphore_mem>>) src(%dma_wait3A_100 : memref<128x128xf32, #tpu.memory_space<vmem_shared>>) dst(%arg9 : memref<128x128xf32, #tpu.memory_space<vmem>>)
      tpu.yield
    }) : () -> ()
    %add3A_70 = arith.constant 128 : i32
    %add3A_71 = arith.addi %add3A_59, %add3A_70 : i32
    "tpu.region"() ({
      %run_scoped3A = tpu.sem_alloc : memref<!tpu.dma_semaphore, #tpu.memory_space<semaphore_mem>>
      %dma_start3A_94 = arith.constant 0 : i32
      %dma_start3A_95 = tpu.memref_slice %arg5[%add3A_71, %dma_start3A_94] : memref<20224x128xf32, #tpu.memory_space<hbm>> -> memref<128x128xf32, #tpu.memory_space<hbm>>
      %dma_start3A_96 = arith.constant 0 : i32
      %dma_start3A_97 = tpu.memref_slice %arg5[%add3A_71, %dma_start3A_96] : memref<20224x128xf32, #tpu.memory_space<hbm>> -> memref<128x128xf32, #tpu.memory_space<hbm>>
      tpu.enqueue_dma source(%arg9 : memref<128x128xf32, #tpu.memory_space<vmem>>) target(%dma_start3A_97 : memref<128x128xf32, #tpu.memory_space<hbm>>) target_semaphore(%run_scoped3A : memref<!tpu.dma_semaphore, #tpu.memory_space<semaphore_mem>>)
      %dma_wait3A = arith.constant 0 : i32
      %dma_wait3A_98 = tpu.memref_slice %arg5[%add3A_71, %dma_wait3A] : memref<20224x128xf32, #tpu.memory_space<hbm>> -> memref<128x128xf32, #tpu.memory_space<hbm>>
      %dma_wait3A_99 = arith.constant 0 : i32
      %dma_wait3A_100 = tpu.memref_slice %arg5[%add3A_71, %dma_wait3A_99] : memref<20224x128xf32, #tpu.memory_space<hbm>> -> memref<128x128xf32, #tpu.memory_space<hbm>>
      tpu.wait_dma2 semaphore(%run_scoped3A : memref<!tpu.dma_semaphore, #tpu.memory_space<semaphore_mem>>) src(%arg9 : memref<128x128xf32, #tpu.memory_space<vmem>>) dst(%dma_wait3A_100 : memref<128x128xf32, #tpu.memory_space<hbm>>)
      tpu.yield
    }) : () -> ()
    %mul3A_72 = arith.constant 632 : i32
    %mul3A_73 = arith.muli %arg1, %mul3A_72 : i32
    %add3A_74 = arith.constant 256 : i32
    %add3A_75 = arith.addi %mul3A_73, %add3A_74 : i32
    "tpu.region"() ({
      %run_scoped3A = tpu.sem_alloc : memref<!tpu.dma_semaphore, #tpu.memory_space<semaphore_mem>>
      %dma_start3A_94 = arith.constant 0 : i32
      %dma_start3A_95 = tpu.memref_slice %arg6[%add3A_75, %dma_start3A_94] : memref<10112x128xf32, #tpu.memory_space<vmem_shared>> -> memref<128x128xf32, #tpu.memory_space<vmem_shared>>
      %dma_start3A_96 = arith.constant 0 : i32
      %dma_start3A_97 = tpu.memref_slice %arg6[%add3A_75, %dma_start3A_96] : memref<10112x128xf32, #tpu.memory_space<vmem_shared>> -> memref<128x128xf32, #tpu.memory_space<vmem_shared>>
      tpu.enqueue_dma source(%dma_start3A_97 : memref<128x128xf32, #tpu.memory_space<vmem_shared>>) target(%arg9 : memref<128x128xf32, #tpu.memory_space<vmem>>) target_semaphore(%run_scoped3A : memref<!tpu.dma_semaphore, #tpu.memory_space<semaphore_mem>>)
      %dma_wait3A = arith.constant 0 : i32
      %dma_wait3A_98 = tpu.memref_slice %arg6[%add3A_75, %dma_wait3A] : memref<10112x128xf32, #tpu.memory_space<vmem_shared>> -> memref<128x128xf32, #tpu.memory_space<vmem_shared>>
      %dma_wait3A_99 = arith.constant 0 : i32
      %dma_wait3A_100 = tpu.memref_slice %arg6[%add3A_75, %dma_wait3A_99] : memref<10112x128xf32, #tpu.memory_space<vmem_shared>> -> memref<128x128xf32, #tpu.memory_space<vmem_shared>>
      tpu.wait_dma2 semaphore(%run_scoped3A : memref<!tpu.dma_semaphore, #tpu.memory_space<semaphore_mem>>) src(%dma_wait3A_100 : memref<128x128xf32, #tpu.memory_space<vmem_shared>>) dst(%arg9 : memref<128x128xf32, #tpu.memory_space<vmem>>)
      tpu.yield
    }) : () -> ()
    %add3A_76 = arith.constant 256 : i32
    %add3A_77 = arith.addi %add3A_59, %add3A_76 : i32
    "tpu.region"() ({
      %run_scoped3A = tpu.sem_alloc : memref<!tpu.dma_semaphore, #tpu.memory_space<semaphore_mem>>
      %dma_start3A_94 = arith.constant 0 : i32
      %dma_start3A_95 = tpu.memref_slice %arg5[%add3A_77, %dma_start3A_94] : memref<20224x128xf32, #tpu.memory_space<hbm>> -> memref<128x128xf32, #tpu.memory_space<hbm>>
      %dma_start3A_96 = arith.constant 0 : i32
      %dma_start3A_97 = tpu.memref_slice %arg5[%add3A_77, %dma_start3A_96] : memref<20224x128xf32, #tpu.memory_space<hbm>> -> memref<128x128xf32, #tpu.memory_space<hbm>>
      tpu.enqueue_dma source(%arg9 : memref<128x128xf32, #tpu.memory_space<vmem>>) target(%dma_start3A_97 : memref<128x128xf32, #tpu.memory_space<hbm>>) target_semaphore(%run_scoped3A : memref<!tpu.dma_semaphore, #tpu.memory_space<semaphore_mem>>)
      %dma_wait3A = arith.constant 0 : i32
      %dma_wait3A_98 = tpu.memref_slice %arg5[%add3A_77, %dma_wait3A] : memref<20224x128xf32, #tpu.memory_space<hbm>> -> memref<128x128xf32, #tpu.memory_space<hbm>>
      %dma_wait3A_99 = arith.constant 0 : i32
      %dma_wait3A_100 = tpu.memref_slice %arg5[%add3A_77, %dma_wait3A_99] : memref<20224x128xf32, #tpu.memory_space<hbm>> -> memref<128x128xf32, #tpu.memory_space<hbm>>
      tpu.wait_dma2 semaphore(%run_scoped3A : memref<!tpu.dma_semaphore, #tpu.memory_space<semaphore_mem>>) src(%arg9 : memref<128x128xf32, #tpu.memory_space<vmem>>) dst(%dma_wait3A_100 : memref<128x128xf32, #tpu.memory_space<hbm>>)
      tpu.yield
    }) : () -> ()
    %mul3A_78 = arith.constant 632 : i32
    %mul3A_79 = arith.muli %arg1, %mul3A_78 : i32
    %add3A_80 = arith.constant 384 : i32
    %add3A_81 = arith.addi %mul3A_79, %add3A_80 : i32
    "tpu.region"() ({
      %run_scoped3A = tpu.sem_alloc : memref<!tpu.dma_semaphore, #tpu.memory_space<semaphore_mem>>
      %dma_start3A_94 = arith.constant 0 : i32
      %dma_start3A_95 = tpu.memref_slice %arg6[%add3A_81, %dma_start3A_94] : memref<10112x128xf32, #tpu.memory_space<vmem_shared>> -> memref<128x128xf32, #tpu.memory_space<vmem_shared>>
      %dma_start3A_96 = arith.constant 0 : i32
      %dma_start3A_97 = tpu.memref_slice %arg6[%add3A_81, %dma_start3A_96] : memref<10112x128xf32, #tpu.memory_space<vmem_shared>> -> memref<128x128xf32, #tpu.memory_space<vmem_shared>>
      tpu.enqueue_dma source(%dma_start3A_97 : memref<128x128xf32, #tpu.memory_space<vmem_shared>>) target(%arg9 : memref<128x128xf32, #tpu.memory_space<vmem>>) target_semaphore(%run_scoped3A : memref<!tpu.dma_semaphore, #tpu.memory_space<semaphore_mem>>)
      %dma_wait3A = arith.constant 0 : i32
      %dma_wait3A_98 = tpu.memref_slice %arg6[%add3A_81, %dma_wait3A] : memref<10112x128xf32, #tpu.memory_space<vmem_shared>> -> memref<128x128xf32, #tpu.memory_space<vmem_shared>>
      %dma_wait3A_99 = arith.constant 0 : i32
      %dma_wait3A_100 = tpu.memref_slice %arg6[%add3A_81, %dma_wait3A_99] : memref<10112x128xf32, #tpu.memory_space<vmem_shared>> -> memref<128x128xf32, #tpu.memory_space<vmem_shared>>
      tpu.wait_dma2 semaphore(%run_scoped3A : memref<!tpu.dma_semaphore, #tpu.memory_space<semaphore_mem>>) src(%dma_wait3A_100 : memref<128x128xf32, #tpu.memory_space<vmem_shared>>) dst(%arg9 : memref<128x128xf32, #tpu.memory_space<vmem>>)
      tpu.yield
    }) : () -> ()
    %add3A_82 = arith.constant 384 : i32
    %add3A_83 = arith.addi %add3A_59, %add3A_82 : i32
    "tpu.region"() ({
      %run_scoped3A = tpu.sem_alloc : memref<!tpu.dma_semaphore, #tpu.memory_space<semaphore_mem>>
      %dma_start3A_94 = arith.constant 0 : i32
      %dma_start3A_95 = tpu.memref_slice %arg5[%add3A_83, %dma_start3A_94] : memref<20224x128xf32, #tpu.memory_space<hbm>> -> memref<128x128xf32, #tpu.memory_space<hbm>>
      %dma_start3A_96 = arith.constant 0 : i32
      %dma_start3A_97 = tpu.memref_slice %arg5[%add3A_83, %dma_start3A_96] : memref<20224x128xf32, #tpu.memory_space<hbm>> -> memref<128x128xf32, #tpu.memory_space<hbm>>
      tpu.enqueue_dma source(%arg9 : memref<128x128xf32, #tpu.memory_space<vmem>>) target(%dma_start3A_97 : memref<128x128xf32, #tpu.memory_space<hbm>>) target_semaphore(%run_scoped3A : memref<!tpu.dma_semaphore, #tpu.memory_space<semaphore_mem>>)
      %dma_wait3A = arith.constant 0 : i32
      %dma_wait3A_98 = tpu.memref_slice %arg5[%add3A_83, %dma_wait3A] : memref<20224x128xf32, #tpu.memory_space<hbm>> -> memref<128x128xf32, #tpu.memory_space<hbm>>
      %dma_wait3A_99 = arith.constant 0 : i32
      %dma_wait3A_100 = tpu.memref_slice %arg5[%add3A_83, %dma_wait3A_99] : memref<20224x128xf32, #tpu.memory_space<hbm>> -> memref<128x128xf32, #tpu.memory_space<hbm>>
      tpu.wait_dma2 semaphore(%run_scoped3A : memref<!tpu.dma_semaphore, #tpu.memory_space<semaphore_mem>>) src(%arg9 : memref<128x128xf32, #tpu.memory_space<vmem>>) dst(%dma_wait3A_100 : memref<128x128xf32, #tpu.memory_space<hbm>>)
      tpu.yield
    }) : () -> ()
    %mul3A_84 = arith.constant 632 : i32
    %mul3A_85 = arith.muli %arg1, %mul3A_84 : i32
    %add3A_86 = arith.constant 632 : i32
    %add3A_87 = arith.addi %mul3A_85, %add3A_86 : i32
    %sub3A_88 = arith.constant 120 : i32
    %sub3A_89 = arith.subi %add3A_87, %sub3A_88 : i32
    "tpu.region"() ({
      %run_scoped3A = tpu.sem_alloc : memref<!tpu.dma_semaphore, #tpu.memory_space<semaphore_mem>>
      %dma_start3A_94 = arith.constant 0 : i32
      %dma_start3A_95 = arith.constant 0 : i32
      %dma_start3A_96 = tpu.memref_slice %arg9[%dma_start3A_94, %dma_start3A_95] : memref<128x128xf32, #tpu.memory_space<vmem>> -> memref<120x128xf32, #tpu.memory_space<vmem>>
      %dma_start3A_97 = arith.constant 0 : i32
      %dma_start3A_98 = tpu.memref_slice %arg6[%sub3A_89, %dma_start3A_97] : memref<10112x128xf32, #tpu.memory_space<vmem_shared>> -> memref<120x128xf32, #tpu.memory_space<vmem_shared>>
      %dma_start3A_99 = arith.constant 0 : i32
      %dma_start3A_100 = arith.constant 0 : i32
      %dma_start3A_101 = tpu.memref_slice %arg9[%dma_start3A_99, %dma_start3A_100] : memref<128x128xf32, #tpu.memory_space<vmem>> -> memref<120x128xf32, #tpu.memory_space<vmem>>
      %dma_start3A_102 = arith.constant 0 : i32
      %dma_start3A_103 = tpu.memref_slice %arg6[%sub3A_89, %dma_start3A_102] : memref<10112x128xf32, #tpu.memory_space<vmem_shared>> -> memref<120x128xf32, #tpu.memory_space<vmem_shared>>
      tpu.enqueue_dma source(%dma_start3A_103 : memref<120x128xf32, #tpu.memory_space<vmem_shared>>) target(%dma_start3A_101 : memref<120x128xf32, #tpu.memory_space<vmem>>) target_semaphore(%run_scoped3A : memref<!tpu.dma_semaphore, #tpu.memory_space<semaphore_mem>>)
      %dma_wait3A = arith.constant 0 : i32
      %dma_wait3A_104 = arith.constant 0 : i32
      %dma_wait3A_105 = tpu.memref_slice %arg9[%dma_wait3A, %dma_wait3A_104] : memref<128x128xf32, #tpu.memory_space<vmem>> -> memref<120x128xf32, #tpu.memory_space<vmem>>
      %dma_wait3A_106 = arith.constant 0 : i32
      %dma_wait3A_107 = tpu.memref_slice %arg6[%sub3A_89, %dma_wait3A_106] : memref<10112x128xf32, #tpu.memory_space<vmem_shared>> -> memref<120x128xf32, #tpu.memory_space<vmem_shared>>
      %dma_wait3A_108 = arith.constant 0 : i32
      %dma_wait3A_109 = arith.constant 0 : i32
      %dma_wait3A_110 = tpu.memref_slice %arg9[%dma_wait3A_108, %dma_wait3A_109] : memref<128x128xf32, #tpu.memory_space<vmem>> -> memref<120x128xf32, #tpu.memory_space<vmem>>
      %dma_wait3A_111 = arith.constant 0 : i32
      %dma_wait3A_112 = tpu.memref_slice %arg6[%sub3A_89, %dma_wait3A_111] : memref<10112x128xf32, #tpu.memory_space<vmem_shared>> -> memref<120x128xf32, #tpu.memory_space<vmem_shared>>
      tpu.wait_dma2 semaphore(%run_scoped3A : memref<!tpu.dma_semaphore, #tpu.memory_space<semaphore_mem>>) src(%dma_wait3A_112 : memref<120x128xf32, #tpu.memory_space<vmem_shared>>) dst(%dma_wait3A_110 : memref<120x128xf32, #tpu.memory_space<vmem>>)
      tpu.yield
    }) : () -> ()
    %add3A_90 = arith.constant 632 : i32
    %add3A_91 = arith.addi %add3A_59, %add3A_90 : i32
    %sub3A_92 = arith.constant 120 : i32
    %sub3A_93 = arith.subi %add3A_91, %sub3A_92 : i32
    "tpu.region"() ({
      %run_scoped3A = tpu.sem_alloc : memref<!tpu.dma_semaphore, #tpu.memory_space<semaphore_mem>>
      %dma_start3A_94 = arith.constant 0 : i32
      %dma_start3A_95 = arith.constant 0 : i32
      %dma_start3A_96 = tpu.memref_slice %arg9[%dma_start3A_94, %dma_start3A_95] : memref<128x128xf32, #tpu.memory_space<vmem>> -> memref<120x128xf32, #tpu.memory_space<vmem>>
      %dma_start3A_97 = arith.constant 0 : i32
      %dma_start3A_98 = tpu.memref_slice %arg5[%sub3A_93, %dma_start3A_97] : memref<20224x128xf32, #tpu.memory_space<hbm>> -> memref<120x128xf32, #tpu.memory_space<hbm>>
      %dma_start3A_99 = arith.constant 0 : i32
      %dma_start3A_100 = tpu.memref_slice %arg5[%sub3A_93, %dma_start3A_99] : memref<20224x128xf32, #tpu.memory_space<hbm>> -> memref<120x128xf32, #tpu.memory_space<hbm>>
      %dma_start3A_101 = arith.constant 0 : i32
      %dma_start3A_102 = arith.constant 0 : i32
      %dma_start3A_103 = tpu.memref_slice %arg9[%dma_start3A_101, %dma_start3A_102] : memref<128x128xf32, #tpu.memory_space<vmem>> -> memref<120x128xf32, #tpu.memory_space<vmem>>
      tpu.enqueue_dma source(%dma_start3A_103 : memref<120x128xf32, #tpu.memory_space<vmem>>) target(%dma_start3A_100 : memref<120x128xf32, #tpu.memory_space<hbm>>) target_semaphore(%run_scoped3A : memref<!tpu.dma_semaphore, #tpu.memory_space<semaphore_mem>>)
      %dma_wait3A = arith.constant 0 : i32
      %dma_wait3A_104 = arith.constant 0 : i32
      %dma_wait3A_105 = tpu.memref_slice %arg9[%dma_wait3A, %dma_wait3A_104] : memref<128x128xf32, #tpu.memory_space<vmem>> -> memref<120x128xf32, #tpu.memory_space<vmem>>
      %dma_wait3A_106 = arith.constant 0 : i32
      %dma_wait3A_107 = tpu.memref_slice %arg5[%sub3A_93, %dma_wait3A_106] : memref<20224x128xf32, #tpu.memory_space<hbm>> -> memref<120x128xf32, #tpu.memory_space<hbm>>
      %dma_wait3A_108 = arith.constant 0 : i32
      %dma_wait3A_109 = tpu.memref_slice %arg5[%sub3A_93, %dma_wait3A_108] : memref<20224x128xf32, #tpu.memory_space<hbm>> -> memref<120x128xf32, #tpu.memory_space<hbm>>
      %dma_wait3A_110 = arith.constant 0 : i32
      %dma_wait3A_111 = arith.constant 0 : i32
      %dma_wait3A_112 = tpu.memref_slice %arg9[%dma_wait3A_110, %dma_wait3A_111] : memref<128x128xf32, #tpu.memory_space<vmem>> -> memref<120x128xf32, #tpu.memory_space<vmem>>
      tpu.wait_dma2 semaphore(%run_scoped3A : memref<!tpu.dma_semaphore, #tpu.memory_space<semaphore_mem>>) src(%dma_wait3A_112 : memref<120x128xf32, #tpu.memory_space<vmem>>) dst(%dma_wait3A_109 : memref<120x128xf32, #tpu.memory_space<hbm>>)
      tpu.yield
    }) : () -> ()
    return
  }
}

module attributes {stable_mosaic.version = 14 : i64} {
  func.func @body(%arg0: i32, %arg1: memref<2000x248xf32, #tpu.memory_space<vmem>>, %arg2: memref<1x2000x128xf32, #tpu.memory_space<vmem>>, %arg3: memref<1x2000x128xf32, #tpu.memory_space<vmem>>, %arg4: memref<256x3840xbf16, #tpu.memory_space<vmem>>, %arg5: memref<248x3840xbf16, #tpu.memory_space<vmem>>, %arg6: memref<3840x248xbf16, #tpu.memory_space<vmem>>, %arg7: memref<2000x248xf32, #tpu.memory_space<vmem>>) attributes {dimension_semantics = [#tpu.dimension_semantics<arbitrary>], iteration_bounds = array<i64: 5>, scalar_prefetch = 0 : i64, scratch_operands = 0 : i64, tpu.core_type = #tpu.core_type<tc>, window_params = [{transform_indices = @transform_0, window_bounds = array<i64: 2000, 248>}, {transform_indices = @transform_1, window_bounds = array<i64: 1, 2000, 128>}, {transform_indices = @transform_2, window_bounds = array<i64: 1, 2000, 128>}, {pipeline_mode = #tpu.pipeline_mode<synchronous>, transform_indices = @transform_3, window_bounds = array<i64: 256, 3840>}, {pipeline_mode = #tpu.pipeline_mode<synchronous>, transform_indices = @transform_4, window_bounds = array<i64: 248, 3840>}, {pipeline_mode = #tpu.pipeline_mode<synchronous>, transform_indices = @transform_5, window_bounds = array<i64: 3840, 248>}, {transform_indices = @transform_6, window_bounds = array<i64: 2000, 248>}]} {
    %get3A = arith.constant 0 : index
    %get3A_0 = arith.constant 0 : index
    %get3A_1 = arith.constant 0 : index
    %get3A_2 = vector.load %arg2[%get3A, %get3A_0, %get3A_1] : memref<1x2000x128xf32, #tpu.memory_space<vmem>>, vector<1x2000x128xf32>
    %get3A_3 = vector.shape_cast %get3A_2 : vector<1x2000x128xf32> to vector<2000x128xf32>
    %get3A_4 = arith.constant 0 : index
    %get3A_5 = arith.constant 0 : index
    %get3A_6 = arith.constant 0 : index
    %get3A_7 = vector.load %arg3[%get3A_4, %get3A_5, %get3A_6] : memref<1x2000x128xf32, #tpu.memory_space<vmem>>, vector<1x2000x128xf32>
    %get3A_8 = vector.shape_cast %get3A_7 : vector<1x2000x128xf32> to vector<2000x128xf32>
    %concatenate3A = tpu.concatenate %get3A_3, %get3A_8 in 1 : vector<2000x128xf32>, vector<2000x128xf32> -> vector<2000x256xf32>
    %convert_element_type3A = arith.truncf %concatenate3A : vector<2000x256xf32> to vector<2000x256xbf16>
    %get3A_9 = arith.constant 0 : index
    %get3A_10 = arith.constant 0 : index
    %get3A_11 = vector.load %arg1[%get3A_9, %get3A_10] : memref<2000x248xf32, #tpu.memory_space<vmem>>, vector<2000x248xf32>
    %convert_element_type3A_12 = arith.truncf %get3A_11 : vector<2000x248xf32> to vector<2000x248xbf16>
    %get3A_13 = arith.constant 0 : index
    %get3A_14 = arith.constant 0 : index
    %get3A_15 = vector.load %arg1[%get3A_13, %get3A_14] : memref<2000x248xf32, #tpu.memory_space<vmem>>, vector<2000x248xf32>
    %get3A_16 = arith.constant 0 : index
    %get3A_17 = arith.constant 0 : index
    %get3A_18 = vector.load %arg4[%get3A_16, %get3A_17] : memref<256x3840xbf16, #tpu.memory_space<vmem>>, vector<256x768xbf16>
    %dot_general3A = arith.constant dense<0.000000e+00> : vector<2000x768xf32>
    %dot_general3A_19 = tpu.matmul %convert_element_type3A, %get3A_18, %dot_general3A {dimension_numbers = #tpu.dot_dimension_numbers<[1], [0], [0], [1], [0, 0, 1, 1], [], []>, transpose_lhs_hint = false} : vector<2000x256xbf16>, vector<256x768xbf16>, vector<2000x768xf32> -> vector<2000x768xf32>
    %get3A_20 = arith.constant 0 : index
    %get3A_21 = arith.constant 0 : index
    %get3A_22 = vector.load %arg5[%get3A_20, %get3A_21] : memref<248x3840xbf16, #tpu.memory_space<vmem>>, vector<248x768xbf16>
    %dot_general3A_23 = arith.constant dense<0.000000e+00> : vector<2000x768xf32>
    %dot_general3A_24 = tpu.matmul %convert_element_type3A_12, %get3A_22, %dot_general3A_23 {dimension_numbers = #tpu.dot_dimension_numbers<[1], [0], [0], [1], [0, 0, 1, 1], [], []>, transpose_lhs_hint = false} : vector<2000x248xbf16>, vector<248x768xbf16>, vector<2000x768xf32> -> vector<2000x768xf32>
    %mul3A = arith.mulf %dot_general3A_19, %dot_general3A_24 : vector<2000x768xf32>
    %convert_element_type3A_25 = arith.truncf %mul3A : vector<2000x768xf32> to vector<2000x768xbf16>
    %get3A_26 = arith.constant 0 : index
    %get3A_27 = arith.constant 0 : index
    %get3A_28 = vector.load %arg6[%get3A_26, %get3A_27] : memref<3840x248xbf16, #tpu.memory_space<vmem>>, vector<768x248xbf16>
    %dot_general3A_29 = arith.constant dense<0.000000e+00> : vector<2000x248xf32>
    %dot_general3A_30 = tpu.matmul %convert_element_type3A_25, %get3A_28, %dot_general3A_29 {dimension_numbers = #tpu.dot_dimension_numbers<[1], [0], [0], [1], [0, 0, 1, 1], [], []>, transpose_lhs_hint = false} : vector<2000x768xbf16>, vector<768x248xbf16>, vector<2000x248xf32> -> vector<2000x248xf32>
    %add3A = arith.addf %get3A_15, %dot_general3A_30 : vector<2000x248xf32>
    %get3A_31 = arith.constant 0 : index
    %get3A_32 = arith.constant 768 : index
    %get3A_33 = vector.load %arg4[%get3A_31, %get3A_32] : memref<256x3840xbf16, #tpu.memory_space<vmem>>, vector<256x768xbf16>
    %dot_general3A_34 = arith.constant dense<0.000000e+00> : vector<2000x768xf32>
    %dot_general3A_35 = tpu.matmul %convert_element_type3A, %get3A_33, %dot_general3A_34 {dimension_numbers = #tpu.dot_dimension_numbers<[1], [0], [0], [1], [0, 0, 1, 1], [], []>, transpose_lhs_hint = false} : vector<2000x256xbf16>, vector<256x768xbf16>, vector<2000x768xf32> -> vector<2000x768xf32>
    %get3A_36 = arith.constant 0 : index
    %get3A_37 = arith.constant 768 : index
    %get3A_38 = vector.load %arg5[%get3A_36, %get3A_37] : memref<248x3840xbf16, #tpu.memory_space<vmem>>, vector<248x768xbf16>
    %dot_general3A_39 = arith.constant dense<0.000000e+00> : vector<2000x768xf32>
    %dot_general3A_40 = tpu.matmul %convert_element_type3A_12, %get3A_38, %dot_general3A_39 {dimension_numbers = #tpu.dot_dimension_numbers<[1], [0], [0], [1], [0, 0, 1, 1], [], []>, transpose_lhs_hint = false} : vector<2000x248xbf16>, vector<248x768xbf16>, vector<2000x768xf32> -> vector<2000x768xf32>
    %mul3A_41 = arith.mulf %dot_general3A_35, %dot_general3A_40 : vector<2000x768xf32>
    %convert_element_type3A_42 = arith.truncf %mul3A_41 : vector<2000x768xf32> to vector<2000x768xbf16>
    %get3A_43 = arith.constant 768 : index
    %get3A_44 = arith.constant 0 : index
    %get3A_45 = vector.load %arg6[%get3A_43, %get3A_44] : memref<3840x248xbf16, #tpu.memory_space<vmem>>, vector<768x248xbf16>
    %dot_general3A_46 = arith.constant dense<0.000000e+00> : vector<2000x248xf32>
    %dot_general3A_47 = tpu.matmul %convert_element_type3A_42, %get3A_45, %dot_general3A_46 {dimension_numbers = #tpu.dot_dimension_numbers<[1], [0], [0], [1], [0, 0, 1, 1], [], []>, transpose_lhs_hint = false} : vector<2000x768xbf16>, vector<768x248xbf16>, vector<2000x248xf32> -> vector<2000x248xf32>
    %add3A_48 = arith.addf %add3A, %dot_general3A_47 : vector<2000x248xf32>
    %get3A_49 = arith.constant 0 : index
    %get3A_50 = arith.constant 1536 : index
    %get3A_51 = vector.load %arg4[%get3A_49, %get3A_50] : memref<256x3840xbf16, #tpu.memory_space<vmem>>, vector<256x768xbf16>
    %dot_general3A_52 = arith.constant dense<0.000000e+00> : vector<2000x768xf32>
    %dot_general3A_53 = tpu.matmul %convert_element_type3A, %get3A_51, %dot_general3A_52 {dimension_numbers = #tpu.dot_dimension_numbers<[1], [0], [0], [1], [0, 0, 1, 1], [], []>, transpose_lhs_hint = false} : vector<2000x256xbf16>, vector<256x768xbf16>, vector<2000x768xf32> -> vector<2000x768xf32>
    %get3A_54 = arith.constant 0 : index
    %get3A_55 = arith.constant 1536 : index
    %get3A_56 = vector.load %arg5[%get3A_54, %get3A_55] : memref<248x3840xbf16, #tpu.memory_space<vmem>>, vector<248x768xbf16>
    %dot_general3A_57 = arith.constant dense<0.000000e+00> : vector<2000x768xf32>
    %dot_general3A_58 = tpu.matmul %convert_element_type3A_12, %get3A_56, %dot_general3A_57 {dimension_numbers = #tpu.dot_dimension_numbers<[1], [0], [0], [1], [0, 0, 1, 1], [], []>, transpose_lhs_hint = false} : vector<2000x248xbf16>, vector<248x768xbf16>, vector<2000x768xf32> -> vector<2000x768xf32>
    %mul3A_59 = arith.mulf %dot_general3A_53, %dot_general3A_58 : vector<2000x768xf32>
    %convert_element_type3A_60 = arith.truncf %mul3A_59 : vector<2000x768xf32> to vector<2000x768xbf16>
    %get3A_61 = arith.constant 1536 : index
    %get3A_62 = arith.constant 0 : index
    %get3A_63 = vector.load %arg6[%get3A_61, %get3A_62] : memref<3840x248xbf16, #tpu.memory_space<vmem>>, vector<768x248xbf16>
    %dot_general3A_64 = arith.constant dense<0.000000e+00> : vector<2000x248xf32>
    %dot_general3A_65 = tpu.matmul %convert_element_type3A_60, %get3A_63, %dot_general3A_64 {dimension_numbers = #tpu.dot_dimension_numbers<[1], [0], [0], [1], [0, 0, 1, 1], [], []>, transpose_lhs_hint = false} : vector<2000x768xbf16>, vector<768x248xbf16>, vector<2000x248xf32> -> vector<2000x248xf32>
    %add3A_66 = arith.addf %add3A_48, %dot_general3A_65 : vector<2000x248xf32>
    %get3A_67 = arith.constant 0 : index
    %get3A_68 = arith.constant 2304 : index
    %get3A_69 = vector.load %arg4[%get3A_67, %get3A_68] : memref<256x3840xbf16, #tpu.memory_space<vmem>>, vector<256x768xbf16>
    %dot_general3A_70 = arith.constant dense<0.000000e+00> : vector<2000x768xf32>
    %dot_general3A_71 = tpu.matmul %convert_element_type3A, %get3A_69, %dot_general3A_70 {dimension_numbers = #tpu.dot_dimension_numbers<[1], [0], [0], [1], [0, 0, 1, 1], [], []>, transpose_lhs_hint = false} : vector<2000x256xbf16>, vector<256x768xbf16>, vector<2000x768xf32> -> vector<2000x768xf32>
    %get3A_72 = arith.constant 0 : index
    %get3A_73 = arith.constant 2304 : index
    %get3A_74 = vector.load %arg5[%get3A_72, %get3A_73] : memref<248x3840xbf16, #tpu.memory_space<vmem>>, vector<248x768xbf16>
    %dot_general3A_75 = arith.constant dense<0.000000e+00> : vector<2000x768xf32>
    %dot_general3A_76 = tpu.matmul %convert_element_type3A_12, %get3A_74, %dot_general3A_75 {dimension_numbers = #tpu.dot_dimension_numbers<[1], [0], [0], [1], [0, 0, 1, 1], [], []>, transpose_lhs_hint = false} : vector<2000x248xbf16>, vector<248x768xbf16>, vector<2000x768xf32> -> vector<2000x768xf32>
    %mul3A_77 = arith.mulf %dot_general3A_71, %dot_general3A_76 : vector<2000x768xf32>
    %convert_element_type3A_78 = arith.truncf %mul3A_77 : vector<2000x768xf32> to vector<2000x768xbf16>
    %get3A_79 = arith.constant 2304 : index
    %get3A_80 = arith.constant 0 : index
    %get3A_81 = vector.load %arg6[%get3A_79, %get3A_80] : memref<3840x248xbf16, #tpu.memory_space<vmem>>, vector<768x248xbf16>
    %dot_general3A_82 = arith.constant dense<0.000000e+00> : vector<2000x248xf32>
    %dot_general3A_83 = tpu.matmul %convert_element_type3A_78, %get3A_81, %dot_general3A_82 {dimension_numbers = #tpu.dot_dimension_numbers<[1], [0], [0], [1], [0, 0, 1, 1], [], []>, transpose_lhs_hint = false} : vector<2000x768xbf16>, vector<768x248xbf16>, vector<2000x248xf32> -> vector<2000x248xf32>
    %add3A_84 = arith.addf %add3A_66, %dot_general3A_83 : vector<2000x248xf32>
    %get3A_85 = arith.constant 0 : index
    %get3A_86 = arith.constant 3072 : index
    %get3A_87 = vector.load %arg4[%get3A_85, %get3A_86] : memref<256x3840xbf16, #tpu.memory_space<vmem>>, vector<256x768xbf16>
    %dot_general3A_88 = arith.constant dense<0.000000e+00> : vector<2000x768xf32>
    %dot_general3A_89 = tpu.matmul %convert_element_type3A, %get3A_87, %dot_general3A_88 {dimension_numbers = #tpu.dot_dimension_numbers<[1], [0], [0], [1], [0, 0, 1, 1], [], []>, transpose_lhs_hint = false} : vector<2000x256xbf16>, vector<256x768xbf16>, vector<2000x768xf32> -> vector<2000x768xf32>
    %get3A_90 = arith.constant 0 : index
    %get3A_91 = arith.constant 3072 : index
    %get3A_92 = vector.load %arg5[%get3A_90, %get3A_91] : memref<248x3840xbf16, #tpu.memory_space<vmem>>, vector<248x768xbf16>
    %dot_general3A_93 = arith.constant dense<0.000000e+00> : vector<2000x768xf32>
    %dot_general3A_94 = tpu.matmul %convert_element_type3A_12, %get3A_92, %dot_general3A_93 {dimension_numbers = #tpu.dot_dimension_numbers<[1], [0], [0], [1], [0, 0, 1, 1], [], []>, transpose_lhs_hint = false} : vector<2000x248xbf16>, vector<248x768xbf16>, vector<2000x768xf32> -> vector<2000x768xf32>
    %mul3A_95 = arith.mulf %dot_general3A_89, %dot_general3A_94 : vector<2000x768xf32>
    %convert_element_type3A_96 = arith.truncf %mul3A_95 : vector<2000x768xf32> to vector<2000x768xbf16>
    %get3A_97 = arith.constant 3072 : index
    %get3A_98 = arith.constant 0 : index
    %get3A_99 = vector.load %arg6[%get3A_97, %get3A_98] : memref<3840x248xbf16, #tpu.memory_space<vmem>>, vector<768x248xbf16>
    %dot_general3A_100 = arith.constant dense<0.000000e+00> : vector<2000x248xf32>
    %dot_general3A_101 = tpu.matmul %convert_element_type3A_96, %get3A_99, %dot_general3A_100 {dimension_numbers = #tpu.dot_dimension_numbers<[1], [0], [0], [1], [0, 0, 1, 1], [], []>, transpose_lhs_hint = false} : vector<2000x768xbf16>, vector<768x248xbf16>, vector<2000x248xf32> -> vector<2000x248xf32>
    %add3A_102 = arith.addf %add3A_84, %dot_general3A_101 : vector<2000x248xf32>
    %swap3A = arith.constant 0 : index
    %swap3A_103 = arith.constant 0 : index
    %swap3A_104 = vector.load %arg7[%swap3A, %swap3A_103] : memref<2000x248xf32, #tpu.memory_space<vmem>>, vector<2000x248xf32>
    tpu.vector_store %arg7[%swap3A, %swap3A_103], %add3A_102 {strides = array<i32>} : memref<2000x248xf32, #tpu.memory_space<vmem>>, vector<2000x248xf32>,
    return
  }
  func.func @transform_0(%arg0: i32) -> (i32, i32) {
    %c0_i32 = arith.constant 0 : i32
    %c0_i32_0 = arith.constant 0 : i32
    return %arg0, %c0_i32 : i32, i32
  }
  func.func @transform_1(%arg0: i32) -> (i32, i32, i32) {
    %c0_i32 = arith.constant 0 : i32
    %c0_i32_0 = arith.constant 0 : i32
    %c0_i32_1 = arith.constant 0 : i32
    return %c0_i32, %arg0, %c0_i32_0 : i32, i32, i32
  }
  func.func @transform_2(%arg0: i32) -> (i32, i32, i32) {
    %c1_i32 = arith.constant 1 : i32
    %c0_i32 = arith.constant 0 : i32
    %c0_i32_0 = arith.constant 0 : i32
    return %c1_i32, %arg0, %c0_i32 : i32, i32, i32
  }
  func.func @transform_3(%arg0: i32) -> (i32, i32) {
    %c0_i32 = arith.constant 0 : i32
    %c0_i32_0 = arith.constant 0 : i32
    %c0_i32_1 = arith.constant 0 : i32
    return %c0_i32, %c0_i32_0 : i32, i32
  }
  func.func @transform_4(%arg0: i32) -> (i32, i32) {
    %c0_i32 = arith.constant 0 : i32
    %c0_i32_0 = arith.constant 0 : i32
    %c0_i32_1 = arith.constant 0 : i32
    return %c0_i32, %c0_i32_0 : i32, i32
  }
  func.func @transform_5(%arg0: i32) -> (i32, i32) {
    %c0_i32 = arith.constant 0 : i32
    %c0_i32_0 = arith.constant 0 : i32
    %c0_i32_1 = arith.constant 0 : i32
    return %c0_i32, %c0_i32_0 : i32, i32
  }
  func.func @transform_6(%arg0: i32) -> (i32, i32) {
    %c0_i32 = arith.constant 0 : i32
    %c0_i32_0 = arith.constant 0 : i32
    return %arg0, %c0_i32 : i32, i32
  }
}

</mosaic_0001>

<sc_bundles>
// kernel: kernel.4.cloned.1.call-start
scs
__scs_entry_jumppad:
0x0: {  	(pc) =	sbr.rel $0x88, $3  }
0x1: {  	(tag) =	ssettag $0x0;
	lr =	simm.s32 $0x1  }
0x2: {  	[smem:$0x3F9B] =	sst lr;
	_ =	strace $0xD0000000  }
0x3: {  	_ = 	snop  }
0x4: {  	_ = 	snop  }
0x5: {  	_ = 	snop  }
0x6: {  	_ = 	snop  }
0x7: {  	_ = 	snop  }
__scs_overlays_trampoline_lowered:
0x8: {  	[smem:$0x3FAA] =	sst s0  }
0x9: {  	[smem:$0x3FAB] =	sst s1  }
0xa: {  	[smem:$0x3FAC] =	sst s2  }
0xb: {  	[smem:$0x3FAD] =	sst s3  }
0xc: {  	[smem:$0x3FAE] =	sst s4  }
0xd: {  	[smem:$0x3FAF] =	sst s5  }
0xe: {  	[smem:$0x3FB0] =	sst s6  }
0xf: {  	[smem:$0x3FB1] =	sst s7  }
0x10: {  	[smem:$0x3FB2] =	sst s8  }
0x11: {  	[smem:$0x3FB3] =	sst s9;
	s0 =	simm.s32 @!p0 $0x0  }
0x12: {  	s1 =	sld [smem:$0x3F99];
	s0 =	simm.s32 @p0 $0x1  }
0x13: {  	[smem:$0x3FB4] =	sst s0;
	s0 =	simm.s32 @!p1 $0x0  }
0x14: {  	s2 =	sld [smem:$0x3F98];
	s0 =	simm.s32 @p1 $0x1  }
0x15: {  	[smem:$0x3FB5] =	sst s0;
	s0 =	simm.s32 @!p2 $0x0  }
0x16: {  	s3 =	sld [smem:$0x3FDB];
	s0 =	simm.s32 @p2 $0x1  }
0x17: {  	s4 =	simm.s32 $0x1BF5;
	[smem:$0x3FB7] =	sst s0  }
0x18: {  	s0 =	sld [smem:$0x3F9A];
	_ =	swait.ge [sflag:s4], $0x0  }
0x19: {  	s7 =	sld [smem:$0x3F9B]  }
0x1a: {  	s8 =	sadd.s32 $0xFFFFE003, lr  }
0x1b: {  	s9 =	sadd.s32 $0xFFFFFEF7, lr;
	s5 =	simm.s32 $0xFFFFFFFF;
	p2 =	slt.u32 s8, $0xFFFFF086  }
0x1c: {  	p1 =	slt.u32 s9, $0xF7A;
	s5 =	simm.s32 @!p2 $0x0  }
0x1d: {  	s5 =	simm.s32 @p1 $0x1;
	p0 =	seq.s32 s7, s2  }
0x1e: {  	s7 =	smul.u32 @!p0 $0xF7A, s2;
	p2 =	seq.s32 @!p0 s5, $0x0  }
0x1f: {  	s9 =	smul.u32 $0xF7A, s1;
	s8 =	simm.s32 @!p0 $0x1BF5;
	p2 =	por !p2, p0  }
0x20: {  	[sflag:s8] =	ssyncset.s32 @!p0 $0xFFFFF086;
	s6 =	sadd.s32 @!p0 s3, s7;
	s7 =	simm.s32 @!p0 $0x108  }
0x21: {  	s3 =	sadd.s32 s3, s9;
	s6 =	sadd.s32 @!p0 $0x88, s6;
	s7 =	simm.s32 @p2 $0x1082  }
0x22: {  	[simem:s7], [sflag:s8] =	dma.local @!p0 [hbm:s6], $0xF7A  }
0x23: {  	s9 =	sor.u32 $0xD0000000, s2;
	s6 =	simm.s32 $0x108;
	_ =	swait.ge @!p0 [sflag:s8], $0x0  }
0x24: {  	s3 =	sadd.s32 $0x88, s3;
	s6 =	simm.s32 @!p1 $0x1082;
	[sflag:s4] =	ssyncset.s32 $0xFFFFF086  }
0x25: {  	[simem:s6], [sflag:s4] =	dma.local [hbm:s3], $0xF7A  }
0x26: {  	[smem:$0x3F9B] =	sst s1;
	(tag) =	ssettag s2;
	_ =	strace s9  }
0x27: {  	s1 =	sld [smem:$0x3FAB]  }
0x28: {  	s2 =	sld [smem:$0x3FAC]  }
0x29: {  	s4 =	sld [smem:$0x3FAE]  }
0x2a: {  	p0 =	seq.s32 s5, $0x0;
	s5 =	sld [smem:$0x3FAF]  }
0x2b: {  	s6 =	sld [smem:$0x3FB0]  }
0x2c: {  	s7 =	sld [smem:$0x3FB1]  }
0x2d: {  	s3 =	simm.s32 $0x108;
	s8 =	sld [smem:$0x3FB2]  }
0x2e: {  	s3 =	simm.s32 @!p0 $0x1082;
	s9 =	sld [smem:$0x3FB3]  }
0x2f: {  	lr =	sadd.s32 s0, s3;
	s0 =	sld [smem:$0x3FAA]  }
0x30: {  	s3 =	sld [smem:$0x3FAD]  }
0x31: {  	[smem:$0x3FB6] =	sst s10  }
0x32: {  	s10 =	sld [smem:$0x3FB4];
	_ =	sdelay $0x3  }
0x33: {  	p0 =	seq.s32 s10, $0x1;
	s10 =	sld [smem:$0x3FB6];
	_ =	sdelay $0x3  }
0x34: {  	[smem:$0x3FB6] =	sst s10  }
0x35: {  	s10 =	sld [smem:$0x3FB5];
	_ =	sdelay $0x3  }
0x36: {  	p1 =	seq.s32 s10, $0x1;
	s10 =	sld [smem:$0x3FB6];
	_ =	sdelay $0x3  }
0x37: {  	[smem:$0x3FB6] =	sst s10  }
0x38: {  	s10 =	sld [smem:$0x3FB7]  }
0x39: {  	_ = 	snop;
	(pc) =	sbr.ind lr, $3  }
0x3a: {  	_ = 	snop  }
0x3b: {  	_ = 	snop  }
0x3c: {  	p2 =	seq.s32 s10, $0x1;
	s10 =	sld [smem:$0x3FB6]  }
0x3d: {  	_ =	shalt  }
0x3e: {  	_ =	shalt  }
0x3f: {  	_ =	shalt  }
0x40: {  	_ =	shalt  }
0x41: {  	_ =	shalt  }
0x42: {  	_ =	shalt  }
0x43: {  	_ =	shalt  }
0x44: {  	_ =	shalt  }
0x45: {  	_ =	shalt  }
0x46: {  	_ =	shalt  }
0x47: {  	_ =	shalt  }
0x48: {  	_ =	shalt  }
0x49: {  	_ =	shalt  }
0x4a: {  	_ =	shalt  }
0x4b: {  	_ =	shalt  }
0x4c: {  	_ =	shalt  }
0x4d: {  	_ =	shalt  }
0x4e: {  	_ =	shalt  }
0x4f: {  	_ =	shalt  }
0x50: {  	_ =	shalt  }
0x51: {  	_ =	shalt  }
0x52: {  	_ =	shalt  }
0x53: {  	_ =	shalt  }
0x54: {  	_ =	shalt  }
0x55: {  	_ =	shalt  }
0x56: {  	_ =	shalt  }
0x57: {  	_ =	shalt  }
0x58: {  	_ =	shalt  }
0x59: {  	_ =	shalt  }
0x5a: {  	_ =	shalt  }
0x5b: {  	_ =	shalt  }
0x5c: {  	_ =	shalt  }
0x5d: {  	_ =	shalt  }
0x5e: {  	_ =	shalt  }
0x5f: {  	_ =	shalt  }
0x60: {  	_ =	shalt  }
0x61: {  	_ =	shalt  }
0x62: {  	_ =	shalt  }
0x63: {  	_ =	shalt  }
0x64: {  	_ =	shalt  }
0x65: {  	_ =	shalt  }
0x66: {  	_ =	shalt  }
0x67: {  	_ =	shalt  }
0x68: {  	_ =	shalt  }
0x69: {  	_ =	shalt  }
0x6a: {  	_ =	shalt  }
0x6b: {  	_ =	shalt  }
0x6c: {  	_ =	shalt  }
0x6d: {  	_ =	shalt  }
0x6e: {  	_ =	shalt  }
0x6f: {  	_ =	shalt  }
0x70: {  	_ =	shalt  }
0x71: {  	_ =	shalt  }
0x72: {  	_ =	shalt  }
0x73: {  	_ =	shalt  }
0x74: {  	_ =	shalt  }
0x75: {  	_ =	shalt  }
0x76: {  	_ =	shalt  }
0x77: {  	_ =	shalt  }
0x78: {  	_ =	shalt  }
0x79: {  	_ =	shalt  }
0x7a: {  	_ =	shalt  }
0x7b: {  	_ =	shalt  }
0x7c: {  	_ =	shalt  }
0x7d: {  	_ =	shalt  }
0x7e: {  	_ =	shalt  }
0x7f: {  	_ =	shalt  }
0x80: {  	_ =	shalt  }
0x81: {  	_ =	shalt  }
0x82: {  	_ =	shalt  }
0x83: {  	_ =	shalt  }
0x84: {  	_ =	shalt  }
0x85: {  	_ =	shalt  }
0x86: {  	_ =	shalt  }
0x87: {  	_ =	shalt  }
.Lfunc_end0:
.L_simem_size_0:
called_computation_lowered:
.L_overlay_start_0:
0x88: {  	s2 =	sld [smem:$0x3FD9]  }
0x89: {  	s3 =	sld [smem:$0x3FFE];
	_ =	sdelay $0x1  }
0x8a: {  	s1 =	srdreg.scid  }
0x8b: {  	s0 =	sand.u32 $0x1, s1  }
0x8c: {  	s17 =	sshll.u32 s0, $0xA;
	s2 =	sadd.s32 s3, s2  }
0x8d: {  	s2 =	sadd.s32 s2, s17  }
0x8e: {  	[smem:$0x3FC2] =	sst s2  }
0x8f: {  	_ = 	snop  }
0x90: {  	s2 =	sld [smem:$0x3FD0];
	(tm) =	ssettm $0x1  }
0x91: {  	s18 =	sld [smem:$0x3FFB];
	_ =	sdelay $0x3  }
0x92: {  	_ =	strace s18  }
0x93: {  	s3 =	sld [smem:$0x3FFC];
	_ =	sdelay $0x3  }
0x94: {  	_ =	strace s3  }
0x95: {  	s3 =	sld [smem:$0x3FFD];
	_ =	sdelay $0x3  }
0x96: {  	_ =	strace s3  }
0x97: {  	_ =	strace $0x8FFFFFFF  }
0x98: {  	s19 =	sld [smem:$0x3FDB];
	_ =	sdelay $0x1  }
0x99: {  	s4 =	simm.s32 $_scs_section_size  }
0x9a: {  	s5 =	simm.s32 $_size__tile_overlayer_lowered;
	s6 =	simm.s32 $_tile_overlayer_lowered  }
0x9b: {  	s22 =	simm.s32 $0x1BFF;
	s21 =	sshll.u32 s6, $0x1;
	s3 =	sadd.s32 s4, s19  }
0x9c: {  	s7 =	simm.s32 $0x0;
	s20 =	sshll.u32 s5, $0x1;
	s5 =	sadd.s32 s21, s3  }
0x9d: {  	[timem:s7], [sflag:s22] =	dma.local [hbm:s5], s20  }
0x9e: {  	_ =	swait.ge [sflag:s22], s20  }
0x9f: {  	s4 =	ssub.s32 $0x0, s20;
	[sflag:s22] =	ssyncset.done $0x0  }
0xa0: {  	[sflag:s22] =	ssyncadd.s32 s4;
	_ =	sdelay $0x1  }
0xa1: {  	s23 =	simm.s32 $0x1B8B  }
0xa2: {  	_ =	swait.ge [sflag:s23], $0x1  }
0xa3: {  	[sflag:s23] =	ssyncset.done $0x0  }
0xa4: {  	s25 =	simm.s32 $0x1B8E;
	s24 =	sld [smem:$0x3FFE];
	[sflag:s23] =	ssyncadd.s32 $0xFFFFFFFF  }
0xa5: {  	s26 =	simm.s32 $execute0_lowered;
	[smem:$0x3FD2] =	sst s25  }
0xa6: {  	s5 =	sshll.u32 s26, $0x1;
	_ =	strace $0x80000046;
	[dreg:$0x1] =	wrdreg $0xFFFFFFFF  }
0xa7: {  	s28 =	simm.s32 $_size_execute0_lowered;
	s3 =	sadd.s32 s3, s5;
	[dreg:$0x0] =	wrdreg $0x0  }
0xa8: {  	s5 =	sshll.u32 s28, $0x1;
	[dreg:$0x2] =	wrdreg s3  }
0xa9: {  	[dreg:$0x3] =	wrdreg s5  }
0xaa: {  	[dreg:$0x4] =	wrdreg $0xC0  }
0xab: {  	_ =	task [dreg:s7], $0x5FFFF  }
0xac: {  	[dreg:$0x1] =	wrdreg $0xFFFFFFFF  }
0xad: {  	[dreg:$0x0] =	wrdreg $0x60  }
0xae: {  	[dreg:$0x2] =	wrdreg s24  }
0xaf: {  	[dreg:$0x3] =	wrdreg s2  }
0xb0: {  	[dreg:$0x4] =	wrdreg $0x0  }
0xb1: {  	[dreg:$0x5] =	wrdreg $0x9  }
0xb2: {  	_ =	task.clear_ibuf [dreg:s7], $0x6FFFF;
	_ =	strace $0x90000046  }
0xb3: {  	s29 =	simm.s32 $0x9;
	_ =	strace $0x80000048  }
0xb4: {  	_ =	swait.ge [sflag:s29], $0x1  }
0xb5: {  	[sflag:s29] =	ssyncadd.s32 $0xFFFFFFFF  }
0xb6: {  	_ =	strace $0x90000048  }
0xb7: {  	_ =	sfence  }
0xb8: {  	s30 =	sld [smem:$0x0];
	_ =	sdelay $0x2  }
0xb9: {  	s31 =	sshll.u32 s1, $0xD;
	s1 =	sshrl.u32 s1, $0x2  }
0xba: {  	s3 =	sand.u32 $0x4000, s31;
	s1 =	sadd.s32 s1, s30  }
0xbb: {  	s0 =	sor.u32 s3, s0;
	s1 =	sshll.u32 s1, $0x11  }
0xbc: {  	s0 =	sor.u32 s1, s0  }
0xbd: {  	s0 =	sadd.s32 $0x8F2B, s0  }
0xbe: {  	[sflag:s0] =	ssyncadd.remote.s32 $0x1  }
0xbf: {  	_ =	sfence.sel $0xFFFF  }
0xc0: {  	[dreg:$0x0] =	wrdreg $0xFFFFFFFF;
	(pc) =	sbr.abs _section_cstart, $3  }
0xc1: {  	[dreg:$0x1] =	wrdreg $0xFFFFFFFF  }
0xc2: {  	_ =	task.clear_ibuf [dreg:s7], $0x2FFFF;
	_ =	strace $0x9FFFFFFF  }
0xc3: {  	(tm) =	ssettm $0x7FFFFFFF  }
tec
execute0_lowered:
.L_overlay_start_1:
0x0: {  	(tag) =	ssettag $0x1  }
0x1: {  	s0 =	rddreg [dreg:$0x0]  }
0x2: {  	s1 =	rddreg [dreg:$0x1]  }
0x3: {  	s2 =	rddreg [dreg:$0x2]  }
0x4: {  	s9 =	stileid.u32;
	s5 =	srdreg.scid;
	s3 =	simm.s32 $0x0  }
0x5: {  	s20 =	simm.s32 $0x16400;
	s28 =	simm.s32 $0x2;
	s4 =	smul.u32 $0x2800, s9  }
0x6: {  	s29 =	simm.s32 $0x14F80;
	s30 =	simm.s32 $0x16300;
	s6 =	smul.u32 $0x278, s9  }
0x7: {  	s5 =	sand.u32 $0x1, s5;
	[smem:$0x7FF] =	sst s3;
	s22 =	smul.u32 $0x4F000, s9  }
0x8: {  	s31 =	simm.s32 $0x16380;
	s8 =	smul.u32 $0x2780, s5;
	_ =	strace $0x80000047  }
0x9: {  	s21 =	sshll.u32 s5, $0x4;
	s5 =	ssub.s32 $0x2, s5;
	s7 =	sshrl.u32 s4, $0x3  }
0xa: {  	s4 =	sadd.s32 $0x53200, s0;
	s23 =	sshrl.u32 s5, $0x1;
	s11 =	sadd.s32 s7, s0  }
0xb: {  	s6 =	sadd.s32 s6, s8;
	s7 =	sor.u32 s9, s21;
	s8 =	sshrl.u32 s22, $0x2  }
0xc: {  	s19 =	ssub.s32 s5, s23;
	s21 =	simm.s32 $0x3;
	s22 =	simm.s32 $0x13C00  }
0xd: {  	s23 =	simm.s32 $0x15000;
	s6 =	sshll.u32 s6, $0x4;
	s10 =	smul.u32 $0x2800, s7  }
0xe: {  	s5 =	sadd.s32 s8, s2;
	s24 =	sadd.s32 $0x4E200, s11;
	s26 =	sadd.s32 $0x4E480, s11  }
0xf: {  	s19 =	smax.u32 s19, $0x1;
	s0 =	sadd.s32 s6, s0;
	s6 =	sadd.s32 $0x4000, s5  }
0x10: {  	s7 =	sadd.s32 $0x8000, s5;
	s8 =	sadd.s32 $0xC000, s5;
	[dreg:$0x4] =	wrdreg s24  }
0x11: {  	s9 =	sadd.s32 $0x10000, s5;
	[dreg:$0x6] =	wrdreg s26;
	s24 =	simm.s32 $0x80  }
0x12: {  	s26 =	simm.s32 $0x1;
	s10 =	sshrl.u32 s10, $0x3;
	s14 =	sadd.s32 $0xA1400, s0  }
0x13: {  	s15 =	sadd.s32 $0xA1C00, s0;
	s16 =	sadd.s32 $0xA2400, s0;
	s10 =	sadd.s32 s1, s10  }
0x14: {  	s17 =	sadd.s32 $0xA2C00, s0;
	s18 =	sadd.s32 $0xA3400, s0;
	s25 =	sadd.s32 $0x280, s10  }
0x15: {  	v0 =	vimm.f32 $0.0e+00;
	s0 =	simm.s32 $0x0;
	[dreg:$0x5] =	wrdreg s25;
	s25 =	simm.s32 $0x1A400  }
.LBB2_1:
0x16: {  	s1 =	simm.s32 $0x0;
	s11 =	simm.s32 $0x200  }
.LBB2_2:
0x17: {  	p0 =	sne.s32 s11, $0xFE00;
	[tilespmem:s1+$0x16470] =	vst v0  }
0x18: {  	[tilespmem:s1+$0x16400] =	vst v0  }
0x19: {  	[tilespmem:s1+$0x16410] =	vst v0  }
.Ltmp0:
0x1a: {  	[tilespmem:s1+$0x16420] =	vst v0;
	(pc) =	sbr.rel @p0 .LBB2_2-.Ltmp0, $4  }
0x1b: {  	[tilespmem:s1+$0x16430] =	vst v0  }
0x1c: {  	[tilespmem:s1+$0x16440] =	vst v0  }
0x1d: {  	[tilespmem:s1+$0x16450] =	vst v0  }
0x1e: {  	[tilespmem:s1+$0x16460] =	vst v0;
	s1 =	sshra.s32 s11, $0x2;
	s11 =	sadd.s32 $0x200, s11  }
0x1f: {  	[tilespmem:s1+$0x16470] =	vst v0  }
0x20: {  	[tilespmem:s1+$0x16400] =	vst v0  }
0x21: {  	[tilespmem:s1+$0x16410] =	vst v0  }
0x22: {  	[tilespmem:s1+$0x16420] =	vst v0  }
0x23: {  	[tilespmem:s1+$0x16430] =	vst v0  }
0x24: {  	[tilespmem:s1+$0x16440] =	vst v0  }
0x25: {  	[tilespmem:s1+$0x16450] =	vst v0  }
0x26: {  	[tilespmem:s1+$0x16460] =	vst v0  }
0x27: {  	[spmem:s5] =	stream.linear.scatter [tilespmem:s20], [sflag:$0x3], $0x4000, $0x38;
	[tilespmem:$0x1E400] =	vst v63  }
0x28: {  	_ =	swait.ge [sflag:s21], $0x4000  }
0x29: {  	[sflag:s21] =	ssyncset.done $0x0  }
0x2a: {  	[sflag:s21] =	ssyncadd.s32 $0xFFFFC000  }
0x2b: {  	[spmem:s6] =	stream.linear.scatter [tilespmem:s20], [sflag:$0x3], $0x4000, $0x38;
	[tilespmem:$0x1E400] =	vst v63  }
0x2c: {  	_ =	swait.ge [sflag:s21], $0x4000  }
0x2d: {  	[sflag:s21] =	ssyncset.done $0x0  }
0x2e: {  	[sflag:s21] =	ssyncadd.s32 $0xFFFFC000  }
0x2f: {  	[spmem:s7] =	stream.linear.scatter [tilespmem:s20], [sflag:$0x3], $0x4000, $0x38;
	[tilespmem:$0x1E400] =	vst v63  }
0x30: {  	_ =	swait.ge [sflag:s21], $0x4000  }
0x31: {  	[sflag:s21] =	ssyncset.done $0x0  }
0x32: {  	[sflag:s21] =	ssyncadd.s32 $0xFFFFC000  }
0x33: {  	[spmem:s8] =	stream.linear.scatter [tilespmem:s20], [sflag:$0x3], $0x4000, $0x38;
	[tilespmem:$0x1E400] =	vst v63  }
0x34: {  	_ =	swait.ge [sflag:s21], $0x4000  }
0x35: {  	[sflag:s21] =	ssyncset.done $0x0  }
0x36: {  	[sflag:s21] =	ssyncadd.s32 $0xFFFFC000  }
0x37: {  	[spmem:s9] =	stream.linear.scatter [tilespmem:s20], [sflag:$0x3], $0x3C00, $0x38;
	[tilespmem:$0x1E400] =	vst v63  }
0x38: {  	_ =	swait.ge [sflag:s21], $0x3C00  }
0x39: {  	[sflag:s21] =	ssyncset.done $0x0  }
0x3a: {  	[sflag:s21] =	ssyncadd.s32 $0xFFFFC400  }
0x3b: {  	s12 =	simm.s32 $0x0;
	[bflag:$0x0] =	sbarrier.arrive $0xFFFF  }
0x3c: {  	[tilespmem:s22], [sflag:$0x3] =	stream.linear.gather [hbm4b:s10+s12], $0x1400, $0x38;
	[tilespmem:$0x1E400] =	vst v63  }
0x3d: {  	_ =	swait.ge [sflag:s21], $0x1400  }
0x3e: {  	[sflag:s21] =	ssyncset.done $0x0  }
0x3f: {  	s11 =	rddreg [dreg:$0x4];
	[sflag:s21] =	ssyncadd.s32 $0xFFFFEC00  }
0x40: {  	[tilespmem:s23], [sflag:$0x3] =	stream.linear.gather [hbm4b:s11+s12], $0x1400, $0x38;
	[tilespmem:$0x1E400] =	vst v63  }
0x41: {  	_ =	swait.ge [sflag:s21], $0x1400  }
0x42: {  	[sflag:s21] =	ssyncset.done $0x0  }
0x43: {  	[sflag:s21] =	ssyncadd.s32 $0xFFFFEC00;
	(ifvalue) =	ssetifvalue $0xFFFFFFFF  }
0x44: {  	(ifvalue) =	ssetifvalue $0xFFFFFFFF  }
0x45: {  	[tilespmem:s20], [sflag:$0x1] =	stream.indirect.gather [hbm4b:s4+s24], $0x80, s22, s24, $0x40b8;
	[tilespmem:$0x1E400] =	vst v63  }
0x46: {  	(ifvalue) =	ssetifvalue $0xFFFFFFFF  }
0x47: {  	s13 =	simm.s32 $0x13C80;
	(ifvalue) =	ssetifvalue $0xFFFFFFFF  }
0x48: {  	[tilespmem:s25], [sflag:$0x2] =	stream.indirect.gather [hbm4b:s4+s24], $0x80, s13, s24, $0x40b8;
	[tilespmem:$0x1E400] =	vst v63  }
0x49: {  	_ =	swait.ge [sflag:s26], $0x4000  }
0x4a: {  	[sflag:s26] =	ssyncset.done $0x0  }
0x4b: {  	s11 =	simm.s32 $0x15000;
	[sflag:s26] =	ssyncadd.s32 $0xFFFFC000;
	(ifvalue) =	ssetifvalue $0xFFFFFFFF  }
0x4c: {  	[spmem:s2] =	stream.indirect.scatter.add.f32 [tilespmem:s20], [sflag:$0x3], $0x80, s11, s24, $0x40b8;
	[tilespmem:$0x1E400] =	vst v63  }
0x4d: {  	_ =	swait.ge [sflag:s21], $0x4000  }
0x4e: {  	[sflag:s21] =	ssyncset.done $0x0  }
0x4f: {  	[sflag:s21] =	ssyncadd.s32 $0xFFFFC000;
	(ifvalue) =	ssetifvalue $0xFFFFFFFF  }
0x50: {  	s12 =	simm.s32 $0x13D00;
	(ifvalue) =	ssetifvalue $0xFFFFFFFF  }
0x51: {  	[tilespmem:s20], [sflag:$0x1] =	stream.indirect.gather [hbm4b:s4+s24], $0x80, s12, s24, $0x40b8;
	[tilespmem:$0x1E400] =	vst v63  }
0x52: {  	_ =	swait.ge [sflag:s28], $0x4000  }
0x53: {  	[sflag:s28] =	ssyncset.done $0x0  }
0x54: {  	s13 =	simm.s32 $0x15080;
	[sflag:s28] =	ssyncadd.s32 $0xFFFFC000;
	(ifvalue) =	ssetifvalue $0xFFFFFFFF  }
0x55: {  	[spmem:s2] =	stream.indirect.scatter.add.f32 [tilespmem:s25], [sflag:$0x3], $0x80, s13, s24, $0x40b8;
	[tilespmem:$0x1E400] =	vst v63  }
0x56: {  	s1 =	simm.s32 $0x100;
	_ =	swait.ge [sflag:s21], $0x4000  }
0x57: {  	s11 =	simm.s32 $0x800;
	(ifvalue) =	ssetifvalue $0xFFFFFFFF;
	[sflag:s21] =	ssyncset.done $0x0  }
.LBB2_4:
0x58: {  	s12 =	sadd.s32 $0x13C80, s1  }
0x59: {  	(ifvalue) =	ssetifvalue $0xFFFFFFFF;
	[sflag:s21] =	ssyncadd.s32 $0xFFFFC000;
	s13 =	smov.u32 s11  }
0x5a: {  	[tilespmem:s25], [sflag:$0x2] =	stream.indirect.gather [hbm4b:s4+s24], $0x80, s12, s24, $0x40b8;
	[tilespmem:$0x1E400] =	vst v63  }
0x5b: {  	p0 =	sne.s32 s11, $0x4800;
	s11 =	sadd.s32 $0x400, s11;
	_ =	swait.ge [sflag:s26], $0x4000  }
0x5c: {  	[sflag:s26] =	ssyncset.done $0x0  }
0x5d: {  	[sflag:s26] =	ssyncadd.s32 $0xFFFFC000  }
0x5e: {  	s12 =	sadd.s32 $0x15000, s1;
	(ifvalue) =	ssetifvalue $0xFFFFFFFF  }
0x5f: {  	[spmem:s2] =	stream.indirect.scatter.add.f32 [tilespmem:s20], [sflag:$0x3], $0x80, s12, s24, $0x40b8;
	[tilespmem:$0x1E400] =	vst v63  }
0x60: {  	_ =	swait.ge [sflag:s21], $0x4000  }
0x61: {  	[sflag:s21] =	ssyncset.done $0x0  }
0x62: {  	[sflag:s21] =	ssyncadd.s32 $0xFFFFC000  }
0x63: {  	(ifvalue) =	ssetifvalue $0xFFFFFFFF  }
0x64: {  	s12 =	sadd.s32 $0x13D00, s1;
	(ifvalue) =	ssetifvalue $0xFFFFFFFF  }
0x65: {  	[tilespmem:s20], [sflag:$0x1] =	stream.indirect.gather [hbm4b:s4+s24], $0x80, s12, s24, $0x40b8;
	[tilespmem:$0x1E400] =	vst v63  }
0x66: {  	_ =	swait.ge [sflag:s28], $0x4000  }
0x67: {  	[sflag:s28] =	ssyncset.done $0x0  }
.Ltmp1:
0x68: {  	[sflag:s28] =	ssyncadd.s32 $0xFFFFC000;
	(pc) =	sbr.rel @p0 .LBB2_4-.Ltmp1, $4  }
0x69: {  	s1 =	sadd.s32 $0x15080, s1;
	(ifvalue) =	ssetifvalue $0xFFFFFFFF  }
0x6a: {  	[spmem:s2] =	stream.indirect.scatter.add.f32 [tilespmem:s25], [sflag:$0x3], $0x80, s1, s24, $0x40b8;
	[tilespmem:$0x1E400] =	vst v63  }
0x6b: {  	_ =	swait.ge [sflag:s21], $0x4000  }
0x6c: {  	s1 =	sshra.s32 s13, $0x2;
	(ifvalue) =	ssetifvalue $0xFFFFFFFF;
	[sflag:s21] =	ssyncset.done $0x0  }
0x6d: {  	(ifvalue) =	ssetifvalue $0xFFFFFFFF;
	s11 =	sadd.s32 $0x13C80, s1;
	[sflag:s21] =	ssyncadd.s32 $0xFFFFC000  }
0x6e: {  	[tilespmem:s25], [sflag:$0x2] =	stream.indirect.gather [hbm4b:s4+s24], $0x80, s11, s24, $0x40b8;
	[tilespmem:$0x1E400] =	vst v63  }
0x6f: {  	_ =	swait.ge [sflag:s26], $0x4000  }
0x70: {  	[sflag:s26] =	ssyncset.done $0x0  }
0x71: {  	s12 =	sadd.s32 $0x15000, s1;
	[sflag:s26] =	ssyncadd.s32 $0xFFFFC000;
	(ifvalue) =	ssetifvalue $0xFFFFFFFF  }
0x72: {  	[spmem:s2] =	stream.indirect.scatter.add.f32 [tilespmem:s20], [sflag:$0x3], $0x80, s12, s24, $0x40b8;
	[tilespmem:$0x1E400] =	vst v63  }
0x73: {  	_ =	swait.ge [sflag:s21], $0x4000  }
0x74: {  	[sflag:s21] =	ssyncset.done $0x0  }
0x75: {  	[sflag:s21] =	ssyncadd.s32 $0xFFFFC000;
	(ifvalue) =	ssetifvalue $0xFFFFFFFF  }
0x76: {  	s13 =	sadd.s32 $0x13D00, s1;
	(ifvalue) =	ssetifvalue $0xFFFFFFFF  }
0x77: {  	[tilespmem:s20], [sflag:$0x1] =	stream.indirect.gather [hbm4b:s4+s24], $0x80, s13, s24, $0x40b8;
	[tilespmem:$0x1E400] =	vst v63  }
0x78: {  	_ =	swait.ge [sflag:s28], $0x4000  }
0x79: {  	[sflag:s28] =	ssyncset.done $0x0  }
0x7a: {  	s12 =	sadd.s32 $0x15080, s1;
	[sflag:s28] =	ssyncadd.s32 $0xFFFFC000;
	(ifvalue) =	ssetifvalue $0xFFFFFFFF  }
0x7b: {  	[spmem:s2] =	stream.indirect.scatter.add.f32 [tilespmem:s25], [sflag:$0x3], $0x80, s12, s24, $0x40b8;
	[tilespmem:$0x1E400] =	vst v63  }
0x7c: {  	_ =	swait.ge [sflag:s21], $0x4000  }
0x7d: {  	[sflag:s21] =	ssyncset.done $0x0  }
0x7e: {  	[sflag:s21] =	ssyncadd.s32 $0xFFFFC000;
	(ifvalue) =	ssetifvalue $0xFFFFFFFF  }
0x7f: {  	(ifvalue) =	ssetifvalue $0xFFFFFFFF  }
0x80: {  	[tilespmem:s25], [sflag:$0x2] =	stream.indirect.gather [hbm4b:s4+s24], $0x80, s29, s24, $0x40b8;
	[tilespmem:$0x1E400] =	vst v63  }
0x81: {  	_ =	swait.ge [sflag:s26], $0x4000  }
0x82: {  	[sflag:s26] =	ssyncset.done $0x0  }
0x83: {  	[sflag:s26] =	ssyncadd.s32 $0xFFFFC000;
	(ifvalue) =	ssetifvalue $0xFFFFFFFF  }
0x84: {  	[spmem:s2] =	stream.indirect.scatter.add.f32 [tilespmem:s20], [sflag:$0x3], $0x80, s30, s24, $0x40b8;
	[tilespmem:$0x1E400] =	vst v63  }
0x85: {  	_ =	swait.ge [sflag:s21], $0x4000  }
0x86: {  	[sflag:s21] =	ssyncset.done $0x0  }
0x87: {  	[sflag:s21] =	ssyncadd.s32 $0xFFFFC000  }
0x88: {  	_ =	swait.ge [sflag:s28], $0x4000  }
0x89: {  	[sflag:s28] =	ssyncset.done $0x0  }
0x8a: {  	[sflag:s28] =	ssyncadd.s32 $0xFFFFC000;
	(ifvalue) =	ssetifvalue $0xFFFFFFFF  }
0x8b: {  	[spmem:s2] =	stream.indirect.scatter.add.f32 [tilespmem:s25], [sflag:$0x3], $0x80, s31, s24, $0x40b8;
	[tilespmem:$0x1E400] =	vst v63  }
0x8c: {  	_ =	swait.ge [sflag:s21], $0x4000  }
0x8d: {  	[sflag:s21] =	ssyncset.done $0x0  }
0x8e: {  	s1 =	simm.s32 $0x0;
	s13 =	rddreg [dreg:$0x5];
	[sflag:s21] =	ssyncadd.s32 $0xFFFFC000  }
0x8f: {  	[tilespmem:s22], [sflag:$0x3] =	stream.linear.gather [hbm4b:s13+s1], $0x1400, $0x38;
	[tilespmem:$0x1E400] =	vst v63  }
0x90: {  	_ =	swait.ge [sflag:s21], $0x1400  }
0x91: {  	[sflag:s21] =	ssyncset.done $0x0  }
0x92: {  	s12 =	rddreg [dreg:$0x6];
	[sflag:s21] =	ssyncadd.s32 $0xFFFFEC00  }
0x93: {  	[tilespmem:s23], [sflag:$0x3] =	stream.linear.gather [hbm4b:s12+s1], $0x1400, $0x38;
	[tilespmem:$0x1E400] =	vst v63  }
0x94: {  	_ =	swait.ge [sflag:s21], $0x1400  }
0x95: {  	[sflag:s21] =	ssyncset.done $0x0  }
0x96: {  	[sflag:s21] =	ssyncadd.s32 $0xFFFFEC00;
	(ifvalue) =	ssetifvalue $0xFFFFFFFF  }
0x97: {  	(ifvalue) =	ssetifvalue $0xFFFFFFFF  }
0x98: {  	[tilespmem:s20], [sflag:$0x1] =	stream.indirect.gather [hbm4b:s4+s24], $0x80, s22, s24, $0x40b8;
	[tilespmem:$0x1E400] =	vst v63  }
0x99: {  	(ifvalue) =	ssetifvalue $0xFFFFFFFF  }
0x9a: {  	s13 =	simm.s32 $0x13C80;
	(ifvalue) =	ssetifvalue $0xFFFFFFFF  }
0x9b: {  	[tilespmem:s25], [sflag:$0x2] =	stream.indirect.gather [hbm4b:s4+s24], $0x80, s13, s24, $0x40b8;
	[tilespmem:$0x1E400] =	vst v63  }
0x9c: {  	_ =	swait.ge [sflag:s26], $0x4000  }
0x9d: {  	[sflag:s26] =	ssyncset.done $0x0  }
0x9e: {  	s11 =	simm.s32 $0x15000;
	[sflag:s26] =	ssyncadd.s32 $0xFFFFC000;
	(ifvalue) =	ssetifvalue $0xFFFFFFFF  }
0x9f: {  	[spmem:s2] =	stream.indirect.scatter.add.f32 [tilespmem:s20], [sflag:$0x3], $0x80, s11, s24, $0x40b8;
	[tilespmem:$0x1E400] =	vst v63  }
0xa0: {  	_ =	swait.ge [sflag:s21], $0x4000  }
0xa1: {  	[sflag:s21] =	ssyncset.done $0x0  }
0xa2: {  	[sflag:s21] =	ssyncadd.s32 $0xFFFFC000;
	(ifvalue) =	ssetifvalue $0xFFFFFFFF  }
0xa3: {  	s12 =	simm.s32 $0x13D00;
	(ifvalue) =	ssetifvalue $0xFFFFFFFF  }
0xa4: {  	[tilespmem:s20], [sflag:$0x1] =	stream.indirect.gather [hbm4b:s4+s24], $0x80, s12, s24, $0x40b8;
	[tilespmem:$0x1E400] =	vst v63  }
0xa5: {  	_ =	swait.ge [sflag:s28], $0x4000  }
0xa6: {  	[sflag:s28] =	ssyncset.done $0x0  }
0xa7: {  	s13 =	simm.s32 $0x15080;
	[sflag:s28] =	ssyncadd.s32 $0xFFFFC000;
	(ifvalue) =	ssetifvalue $0xFFFFFFFF  }
0xa8: {  	[spmem:s2] =	stream.indirect.scatter.add.f32 [tilespmem:s25], [sflag:$0x3], $0x80, s13, s24, $0x40b8;
	[tilespmem:$0x1E400] =	vst v63  }
0xa9: {  	s1 =	simm.s32 $0x100;
	_ =	swait.ge [sflag:s21], $0x4000  }
0xaa: {  	s11 =	simm.s32 $0x800;
	(ifvalue) =	ssetifvalue $0xFFFFFFFF;
	[sflag:s21] =	ssyncset.done $0x0  }
.LBB2_6:
0xab: {  	s12 =	sadd.s32 $0x13C80, s1  }
0xac: {  	(ifvalue) =	ssetifvalue $0xFFFFFFFF;
	[sflag:s21] =	ssyncadd.s32 $0xFFFFC000;
	s13 =	smov.u32 s11  }
0xad: {  	[tilespmem:s25], [sflag:$0x2] =	stream.indirect.gather [hbm4b:s4+s24], $0x80, s12, s24, $0x40b8;
	[tilespmem:$0x1E400] =	vst v63  }
0xae: {  	p0 =	sne.s32 s11, $0x4800;
	s11 =	sadd.s32 $0x400, s11;
	_ =	swait.ge [sflag:s26], $0x4000  }
0xaf: {  	[sflag:s26] =	ssyncset.done $0x0  }
0xb0: {  	[sflag:s26] =	ssyncadd.s32 $0xFFFFC000  }
0xb1: {  	s12 =	sadd.s32 $0x15000, s1;
	(ifvalue) =	ssetifvalue $0xFFFFFFFF  }
0xb2: {  	[spmem:s2] =	stream.indirect.scatter.add.f32 [tilespmem:s20], [sflag:$0x3], $0x80, s12, s24, $0x40b8;
	[tilespmem:$0x1E400] =	vst v63  }
0xb3: {  	_ =	swait.ge [sflag:s21], $0x4000  }
0xb4: {  	[sflag:s21] =	ssyncset.done $0x0  }
0xb5: {  	[sflag:s21] =	ssyncadd.s32 $0xFFFFC000  }
0xb6: {  	(ifvalue) =	ssetifvalue $0xFFFFFFFF  }
0xb7: {  	s12 =	sadd.s32 $0x13D00, s1;
	(ifvalue) =	ssetifvalue $0xFFFFFFFF  }
0xb8: {  	[tilespmem:s20], [sflag:$0x1] =	stream.indirect.gather [hbm4b:s4+s24], $0x80, s12, s24, $0x40b8;
	[tilespmem:$0x1E400] =	vst v63  }
0xb9: {  	_ =	swait.ge [sflag:s28], $0x4000  }
0xba: {  	[sflag:s28] =	ssyncset.done $0x0  }
.Ltmp2:
0xbb: {  	[sflag:s28] =	ssyncadd.s32 $0xFFFFC000;
	(pc) =	sbr.rel @p0 .LBB2_6-.Ltmp2, $4  }
0xbc: {  	s1 =	sadd.s32 $0x15080, s1;
	(ifvalue) =	ssetifvalue $0xFFFFFFFF  }
0xbd: {  	[spmem:s2] =	stream.indirect.scatter.add.f32 [tilespmem:s25], [sflag:$0x3], $0x80, s1, s24, $0x40b8;
	[tilespmem:$0x1E400] =	vst v63  }
0xbe: {  	_ =	swait.ge [sflag:s21], $0x4000  }
0xbf: {  	s1 =	sshra.s32 s13, $0x2;
	(ifvalue) =	ssetifvalue $0xFFFFFFFF;
	[sflag:s21] =	ssyncset.done $0x0  }
0xc0: {  	(ifvalue) =	ssetifvalue $0xFFFFFFFF;
	s11 =	sadd.s32 $0x13C80, s1;
	[sflag:s21] =	ssyncadd.s32 $0xFFFFC000  }
0xc1: {  	[tilespmem:s25], [sflag:$0x2] =	stream.indirect.gather [hbm4b:s4+s24], $0x80, s11, s24, $0x40b8;
	[tilespmem:$0x1E400] =	vst v63  }
0xc2: {  	_ =	swait.ge [sflag:s26], $0x4000  }
0xc3: {  	[sflag:s26] =	ssyncset.done $0x0  }
0xc4: {  	s13 =	sadd.s32 $0x15000, s1;
	[sflag:s26] =	ssyncadd.s32 $0xFFFFC000;
	(ifvalue) =	ssetifvalue $0xFFFFFFFF  }
0xc5: {  	[spmem:s2] =	stream.indirect.scatter.add.f32 [tilespmem:s20], [sflag:$0x3], $0x80, s13, s24, $0x40b8;
	[tilespmem:$0x1E400] =	vst v63  }
0xc6: {  	_ =	swait.ge [sflag:s21], $0x4000  }
0xc7: {  	[sflag:s21] =	ssyncset.done $0x0  }
0xc8: {  	[sflag:s21] =	ssyncadd.s32 $0xFFFFC000;
	(ifvalue) =	ssetifvalue $0xFFFFFFFF  }
0xc9: {  	s12 =	sadd.s32 $0x13D00, s1;
	(ifvalue) =	ssetifvalue $0xFFFFFFFF  }
0xca: {  	[tilespmem:s20], [sflag:$0x1] =	stream.indirect.gather [hbm4b:s4+s24], $0x80, s12, s24, $0x40b8;
	[tilespmem:$0x1E400] =	vst v63  }
0xcb: {  	_ =	swait.ge [sflag:s28], $0x4000  }
0xcc: {  	[sflag:s28] =	ssyncset.done $0x0  }
0xcd: {  	s13 =	sadd.s32 $0x15080, s1;
	[sflag:s28] =	ssyncadd.s32 $0xFFFFC000;
	(ifvalue) =	ssetifvalue $0xFFFFFFFF  }
0xce: {  	[spmem:s2] =	stream.indirect.scatter.add.f32 [tilespmem:s25], [sflag:$0x3], $0x80, s13, s24, $0x40b8;
	[tilespmem:$0x1E400] =	vst v63  }
0xcf: {  	_ =	swait.ge [sflag:s21], $0x4000  }
0xd0: {  	[sflag:s21] =	ssyncset.done $0x0  }
0xd1: {  	[sflag:s21] =	ssyncadd.s32 $0xFFFFC000;
	(ifvalue) =	ssetifvalue $0xFFFFFFFF  }
0xd2: {  	(ifvalue) =	ssetifvalue $0xFFFFFFFF  }
0xd3: {  	[tilespmem:s25], [sflag:$0x2] =	stream.indirect.gather [hbm4b:s4+s24], $0x80, s29, s24, $0x40b8;
	[tilespmem:$0x1E400] =	vst v63  }
0xd4: {  	_ =	swait.ge [sflag:s26], $0x4000  }
0xd5: {  	[sflag:s26] =	ssyncset.done $0x0  }
0xd6: {  	[sflag:s26] =	ssyncadd.s32 $0xFFFFC000;
	(ifvalue) =	ssetifvalue $0xFFFFFFFF  }
0xd7: {  	[spmem:s2] =	stream.indirect.scatter.add.f32 [tilespmem:s20], [sflag:$0x3], $0x80, s30, s24, $0x40b8;
	[tilespmem:$0x1E400] =	vst v63  }
0xd8: {  	_ =	swait.ge [sflag:s21], $0x4000  }
0xd9: {  	[sflag:s21] =	ssyncset.done $0x0  }
0xda: {  	[sflag:s21] =	ssyncadd.s32 $0xFFFFC000  }
0xdb: {  	_ =	swait.ge [sflag:s28], $0x4000  }
0xdc: {  	[sflag:s28] =	ssyncset.done $0x0  }
0xdd: {  	[sflag:s28] =	ssyncadd.s32 $0xFFFFC000;
	(ifvalue) =	ssetifvalue $0xFFFFFFFF  }
0xde: {  	[spmem:s2] =	stream.indirect.scatter.add.f32 [tilespmem:s25], [sflag:$0x3], $0x80, s31, s24, $0x40b8;
	[tilespmem:$0x1E400] =	vst v63  }
0xdf: {  	_ =	swait.ge [sflag:s21], $0x4000  }
0xe0: {  	[sflag:s21] =	ssyncset.done $0x0  }
0xe1: {  	[sflag:s21] =	ssyncadd.s32 $0xFFFFC000  }
0xe2: {  	[bflag:$0x0] =	sbarrier.arrive $0xFFFF  }
0xe3: {  	[tilespmem:s20], [sflag:$0x3] =	stream.linear.gather [spmem:s5], $0x4000, $0x38;
	[tilespmem:$0x1E400] =	vst v63  }
0xe4: {  	_ =	swait.ge [sflag:s21], $0x4000  }
0xe5: {  	[sflag:s21] =	ssyncset.done $0x0  }
0xe6: {  	[sflag:s21] =	ssyncadd.s32 $0xFFFFC000  }
0xe7: {  	[hbm4b:s14+s3] =	stream.linear.scatter [tilespmem:s20], [sflag:$0x3], $0x4000, $0x38;
	[tilespmem:$0x1E400] =	vst v63  }
0xe8: {  	_ =	swait.ge [sflag:s21], $0x4000  }
0xe9: {  	[sflag:s21] =	ssyncset.done $0x0  }
0xea: {  	[sflag:s21] =	ssyncadd.s32 $0xFFFFC000  }
0xeb: {  	[tilespmem:s20], [sflag:$0x3] =	stream.linear.gather [spmem:s6], $0x4000, $0x38;
	[tilespmem:$0x1E400] =	vst v63  }
0xec: {  	_ =	swait.ge [sflag:s21], $0x4000  }
0xed: {  	[sflag:s21] =	ssyncset.done $0x0  }
0xee: {  	[sflag:s21] =	ssyncadd.s32 $0xFFFFC000  }
0xef: {  	[hbm4b:s15+s3] =	stream.linear.scatter [tilespmem:s20], [sflag:$0x3], $0x4000, $0x38;
	[tilespmem:$0x1E400] =	vst v63  }
0xf0: {  	_ =	swait.ge [sflag:s21], $0x4000  }
0xf1: {  	[sflag:s21] =	ssyncset.done $0x0  }
0xf2: {  	[sflag:s21] =	ssyncadd.s32 $0xFFFFC000  }
0xf3: {  	[tilespmem:s20], [sflag:$0x3] =	stream.linear.gather [spmem:s7], $0x4000, $0x38;
	[tilespmem:$0x1E400] =	vst v63  }
0xf4: {  	_ =	swait.ge [sflag:s21], $0x4000  }
0xf5: {  	[sflag:s21] =	ssyncset.done $0x0  }
0xf6: {  	[sflag:s21] =	ssyncadd.s32 $0xFFFFC000  }
0xf7: {  	[hbm4b:s16+s3] =	stream.linear.scatter [tilespmem:s20], [sflag:$0x3], $0x4000, $0x38;
	[tilespmem:$0x1E400] =	vst v63  }
0xf8: {  	_ =	swait.ge [sflag:s21], $0x4000  }
0xf9: {  	[sflag:s21] =	ssyncset.done $0x0  }
0xfa: {  	[sflag:s21] =	ssyncadd.s32 $0xFFFFC000  }
0xfb: {  	[tilespmem:s20], [sflag:$0x3] =	stream.linear.gather [spmem:s8], $0x4000, $0x38;
	[tilespmem:$0x1E400] =	vst v63  }
0xfc: {  	_ =	swait.ge [sflag:s21], $0x4000  }
0xfd: {  	[sflag:s21] =	ssyncset.done $0x0  }
0xfe: {  	[sflag:s21] =	ssyncadd.s32 $0xFFFFC000  }
0xff: {  	[hbm4b:s17+s3] =	stream.linear.scatter [tilespmem:s20], [sflag:$0x3], $0x4000, $0x38;
	[tilespmem:$0x1E400] =	vst v63  }
0x100: {  	_ =	swait.ge [sflag:s21], $0x4000  }
0x101: {  	[sflag:s21] =	ssyncset.done $0x0  }
0x102: {  	[sflag:s21] =	ssyncadd.s32 $0xFFFFC000  }
0x103: {  	[tilespmem:s20], [sflag:$0x3] =	stream.linear.gather [spmem:s9], $0x3C00, $0x38;
	[tilespmem:$0x1E400] =	vst v63  }
0x104: {  	s0 =	sadd.s32 $0x1, s0;
	_ =	swait.ge [sflag:s21], $0x3C00  }
0x105: {  	p0 =	sne.s32 s0, s19;
	[sflag:s21] =	ssyncset.done $0x0  }
.Ltmp3:
0x106: {  	[sflag:s21] =	ssyncadd.s32 $0xFFFFC400;
	(pc) =	sbr.rel @p0 .LBB2_1-.Ltmp3, $4  }
0x107: {  	[hbm4b:s18+s3] =	stream.linear.scatter [tilespmem:s20], [sflag:$0x3], $0x3C00, $0x38;
	[tilespmem:$0x1E400] =	vst v63  }
0x108: {  	_ =	swait.ge [sflag:s21], $0x3C00  }
0x109: {  	[sflag:s21] =	ssyncset.done $0x0  }
0x10a: {  	[sflag:s21] =	ssyncadd.s32 $0xFFFFC400  }
0x10b: {  	_ =	sfence.sel $0x180000  }
0x10c: {  	[bflag:$0x0] =	sbarrier.arrive $0xFFFF  }
0x10d: {  	_ =	strace $0x90000047  }
0x10e: {  	s0 =	stileid.u32;
	[bflag:$0x2] =	sbarrier.arrive $0xFFFF  }
0x10f: {  	p0 =	sne.s32 s0, $0x0;
	s0 =	rddreg [dreg:$0x3]  }
0x110: {  	s0 =	sadd.s32 @!p0 $0x100000, s0  }
0x111: {  	[sflag:s0] =	ssyncadd.tile.s32 @!p0 $0x1;
	_ =	shalt  }
.Lfunc_end2:
_tile_overlayer_lowered:
.L_overlay_start_2:
0x112: {  	(tag) =	ssettag $0x2  }
0x113: {  	s0 =	rddreg [dreg:$0x0];
	s2 =	stileid.u32  }
0x114: {  	s1 =	rddreg [dreg:$0x1];
	p0 =	sne.s32 s2, $0x0  }
0x115: {  	s3 =	rddreg [dreg:$0x2];
	[bflag:$0x3] =	sbarrier.arrive $0xFFFF;
	s2 =	simm.s32 @!p0 $0x1C03  }
0x116: {  	[timem:s3], [sflag:s2] =	dma.local @!p0 [hbm:s0], s1  }
0x117: {  	s0 =	simm.s32 @!p0 $0x3  }
0x118: {  	_ =	swait.ge @!p0 [sflag:s0], s1  }
0x119: {  	s1 =	ssub.s32 @!p0 $0x0, s1;
	[sflag:s0] =	ssyncset.done @!p0 $0x0  }
0x11a: {  	[sflag:s0] =	ssyncadd.s32 @!p0 s1  }
0x11b: {  	[bflag:$0x3] =	sbarrier.arrive $0xFFFF  }
0x11c: {  	_ =	shalt  }

</sc_bundles>
